<compile_context>
chip_gen: v7x
topology: tpu7x:2x2x1
jax: 0.10.2.dev20260603
libtpu: 0.0.44.dev20260713+nightly
codegen_flags: <defaults>
</compile_context>

<pallas_src>
import functools

import jax
import jax.numpy as jnp
from jax import lax
from jax.experimental import pallas as pl
from jax.experimental.pallas import tpu as pltpu
from jax.experimental.pallas import tpu_sc as plsc

_B, _N, _D = 4, 8192, 768
_BT = _B * _N
_NW = 32
_BPW = _BT // _NW
_C = 32
_NCHUNK = _BPW // _C
_NS = 4

_CH = 4096
_NBLK = _BT // _CH
_R, _CC = 256, 128
_RPB = _N // _CC
_TARGET_RATIOS = (0.1, 0.02)


def _sc_gather_kernel(
    table_hbm, idx_hbm, out_hbm, idx_v, buf,
    g0, g1, g2, g3, o0, o1, o2, o3,
):
    wid = lax.axis_index("s") * 2 + lax.axis_index("c")
    base = wid * _BPW
    pltpu.sync_copy(idx_hbm.at[pl.ds(base, _BPW)], idx_v)
    semg = (g0, g1, g2, g3)
    semo = (o0, o1, o2, o3)

    def _issue_gather(c, t):
        pltpu.async_copy(
            table_hbm.at[idx_v.at[pl.ds(c * _C, _C)]], buf.at[t], semg[t]
        )

    def _drain(sem, t):
        pltpu.make_async_copy(table_hbm.at[pl.ds(0, _C)], buf.at[t], sem).wait()

    for t in range(2):
        _issue_gather(t, t)

    def body(i, carry):
        for t in range(_NS):
            c = i * _NS + t
            _drain(semg[t], t)
            pltpu.async_copy(
                buf.at[t], out_hbm.at[pl.ds(base + c * _C, _C)], semo[t]
            )
            t2 = (t + 2) % _NS

            @pl.when(c >= 2)
            def _():
                _drain(semo[t2], t2)

            @pl.when(c + 2 < _NCHUNK)
            def _():
                _issue_gather(c + 2, t2)
        return carry

    lax.fori_loop(0, _NCHUNK // _NS, body, 0)
    _drain(semo[(_NCHUNK - 2) % _NS], (_NCHUNK - 2) % _NS)
    _drain(semo[(_NCHUNK - 1) % _NS], (_NCHUNK - 1) % _NS)


@functools.cache
def _sc_gather():
    return pl.kernel(
        _sc_gather_kernel,
        out_type=jax.ShapeDtypeStruct((_BT, _D), jnp.float32),
        mesh=plsc.VectorSubcoreMesh(core_axis_name="c", subcore_axis_name="s"),
        scratch_types=[
            pltpu.VMEM((_BPW,), jnp.int32),
            pltpu.VMEM((_NS, _C, _D), jnp.float32),
            pltpu.SemaphoreType.DMA,
            pltpu.SemaphoreType.DMA,
            pltpu.SemaphoreType.DMA,
            pltpu.SemaphoreType.DMA,
            pltpu.SemaphoreType.DMA,
            pltpu.SemaphoreType.DMA,
            pltpu.SemaphoreType.DMA,
            pltpu.SemaphoreType.DMA,
        ],
    )


def _tc_logits_body(x_ref, w_ref, l1_ref, l2_ref):
    lg = jnp.dot(x_ref[...], w_ref[...], preferred_element_type=jnp.float32)
    l1_ref[...] = lg[:, 0:1]
    l2_ref[...] = lg[:, 1:2]


def _tc_logits(x2, wc):
    return pl.pallas_call(
        _tc_logits_body,
        grid=(_NBLK,),
        in_specs=[
            pl.BlockSpec((_CH, _D), lambda i: (i, 0)),
            pl.BlockSpec((_D, 2), lambda i: (0, 0)),
        ],
        out_specs=[
            pl.BlockSpec((_CH, 1), lambda i: (i, 0)),
            pl.BlockSpec((_CH, 1), lambda i: (i, 0)),
        ],
        out_shape=[
            jax.ShapeDtypeStruct((_BT, 1), jnp.float32),
            jax.ShapeDtypeStruct((_BT, 1), jnp.float32),
        ],
    )(x2, wc)


def _tc_finish_body(
    l1_ref, l2_ref, m_ref, b_ref,
    lid1_ref, hd1_ref, lid2_ref, hd2_ref, loss_ref,
):
    l1 = l1_ref[...] + b_ref[0]
    l2 = l2_ref[...] + b_ref[1]
    maskf = m_ref[...].astype(jnp.float32)
    p1 = jax.nn.sigmoid(l1) * maskf
    p2 = jax.nn.sigmoid(l2) * maskf
    h1 = (p1 > 0.5).astype(jnp.float32)
    h2 = (p2 > 0.5).astype(jnp.float32)

    rowc = lax.broadcasted_iota(jnp.int32, (_CC, _CC), 0)
    colc = lax.broadcasted_iota(jnp.int32, (_CC, _CC), 1)
    upper = (rowc <= colc).astype(jnp.float32)
    win1 = jnp.dot(h1, upper, preferred_element_type=jnp.float32)
    win2 = jnp.dot(h2, upper, preferred_element_type=jnp.float32)

    rowr = lax.broadcasted_iota(jnp.int32, (_R, _R), 0)
    colr = lax.broadcasted_iota(jnp.int32, (_R, _R), 1)
    batch_start = (rowr // _RPB) * _RPB
    wb_lower = jnp.logical_and(colr < rowr, colr >= batch_start)
    wb_lower = wb_lower.astype(jnp.float32)
    rs1 = win1[:, _CC - 1 : _CC]
    rs2 = win2[:, _CC - 1 : _CC]
    cs1 = win1 + jnp.dot(wb_lower, rs1, preferred_element_type=jnp.float32)
    cs2 = win2 + jnp.dot(wb_lower, rs2, preferred_element_type=jnp.float32)

    lid1_ref[...] = cs1.astype(jnp.int32)
    hd1_ref[...] = h1.astype(jnp.int32)
    lid2_ref[...] = cs2.astype(jnp.int32)
    hd2_ref[...] = h2.astype(jnp.int32)

    denom = jnp.maximum(jnp.sum(maskf), 1.0)
    r1 = jnp.sum(p1) / denom
    r2 = jnp.sum(p2) / denom
    loss_ref[0, 0] = (
        (r1 - _TARGET_RATIOS[0]) ** 2 + (r2 - _TARGET_RATIOS[1]) ** 2
    )


def _tc_finish(l1, l2, mv, bc):
    return pl.pallas_call(
        _tc_finish_body,
        in_specs=[
            pl.BlockSpec((_R, _CC), lambda: (0, 0)),
            pl.BlockSpec((_R, _CC), lambda: (0, 0)),
            pl.BlockSpec((_R, _CC), lambda: (0, 0)),
            pl.BlockSpec(memory_space=pltpu.SMEM),
        ],
        out_specs=[
            pl.BlockSpec((_R, _CC), lambda: (0, 0)),
            pl.BlockSpec((_R, _CC), lambda: (0, 0)),
            pl.BlockSpec((_R, _CC), lambda: (0, 0)),
            pl.BlockSpec((_R, _CC), lambda: (0, 0)),
            pl.BlockSpec(memory_space=pltpu.SMEM),
        ],
        out_shape=[
            jax.ShapeDtypeStruct((_R, _CC), jnp.int32),
            jax.ShapeDtypeStruct((_R, _CC), jnp.int32),
            jax.ShapeDtypeStruct((_R, _CC), jnp.int32),
            jax.ShapeDtypeStruct((_R, _CC), jnp.int32),
            jax.ShapeDtypeStruct((1, 1), jnp.float32),
        ],
    )(l1, l2, mv, bc)


def kernel(input_ids, attention_mask, token_embed, W_r1, b_r1, W_r2, b_r2):
    B, N = input_ids.shape
    V, D = token_embed.shape
    assert (B, N, D) == (_B, _N, _D)

    idx = input_ids.reshape(_BT)
    x2 = _sc_gather()(token_embed, idx)

    wc = jnp.concatenate([W_r1, W_r2], axis=1)
    bc = jnp.concatenate([b_r1, b_r2])
    l1, l2 = _tc_logits(x2, wc)
    mv = attention_mask.reshape(_R, _CC)
    lid1, hd1, lid2, hd2, loss = _tc_finish(
        l1.reshape(_R, _CC), l2.reshape(_R, _CC), mv, bc
    )

    x = x2.reshape(B, N, D)
    return (
        x,
        lid1.reshape(B, N),
        hd1.reshape(B, N).astype(bool),
        lid2.reshape(B, N),
        hd2.reshape(B, N).astype(bool),
        loss[0, 0],
    )

# --- scband reference (transcript-rebuilt; emitter-appended) ---
"""Pipeline reference for scband-lhtencoder-10703058501948 (READ-ONLY COPY).

The authoritative reference and input builder live on the scoring server;
editing this copy changes nothing except your own understanding.
"""

import jax, jax.numpy as jnp
import numpy as np

B, N, D, VOCAB = 4, 8192, 768, 100000
TARGET_RATIOS = (0.1, 0.02)


def setup_inputs(seed: int = 0) -> dict:
    key = jax.random.key(seed)
    ks = jax.random.split(key, 6)
    input_ids = jax.random.randint(ks[0], (B, N), 0, VOCAB, dtype=jnp.int32)
    attention_mask = jnp.ones((B, N), dtype=jnp.int32)
    token_embed = jax.random.normal(ks[1], (VOCAB, D), dtype=jnp.float32) * 0.02
    W_r1 = jax.random.normal(ks[2], (D, 1), dtype=jnp.float32) * 0.02
    b_r1 = jnp.zeros((1,), dtype=jnp.float32)
    W_r2 = jax.random.normal(ks[3], (D, 1), dtype=jnp.float32) * 0.02
    b_r2 = jnp.zeros((1,), dtype=jnp.float32)
    return {
        "input_ids": input_ids,
        "attention_mask": attention_mask,
        "token_embed": token_embed,
        "W_r1": W_r1,
        "b_r1": b_r1,
        "W_r2": W_r2,
        "b_r2": b_r2,
    }


def reference(input_ids, attention_mask, token_embed, W_r1, b_r1, W_r2, b_r2):
    # token embedding lookup (SparseCore gather) -- x is never transformed by
    # any layer in the original module (self.layers is an empty ModuleList);
    # the layer loop only fires the schedule-driven hierarchy routers.
    x = jnp.take(token_embed, input_ids, axis=0)  # [B, N, D]
    maskf = attention_mask.astype(jnp.float32)

    routers = [(W_r1, b_r1), (W_r2, b_r2)]
    level_ids = []
    is_heads = []
    ratio_losses = []
    # router_schedule = {4: level 1, 8: level 2}; update_single_level fires at
    # those layers. Since x is constant across layers, we apply each level's
    # router to x in order.
    for lvl, (W, b) in enumerate(routers):
        logits = jnp.einsum("bnd,dk->bnk", x, W)[..., 0] + b[0]  # [B, N]
        probs = jax.nn.sigmoid(logits) * maskf
        head = probs > 0.5  # boundary / segment-head tokens
        lid = jnp.cumsum(head.astype(jnp.int32), axis=1)  # token -> segment id
        level_ids.append(lid)
        is_heads.append(head)
        ratio = jnp.sum(probs) / jnp.maximum(jnp.sum(maskf), 1.0)
        ratio_losses.append((ratio - TARGET_RATIOS[lvl]) ** 2)

    router_ratio_loss = jnp.sum(jnp.stack(ratio_losses))
    return (x, level_ids[0], is_heads[0], level_ids[1], is_heads[1], router_ratio_loss)

if __name__ == "__main__":
    import jax
    _d = setup_inputs()
    print(jax.jit(kernel)(*tuple(_d.values())))

</pallas_src>

<mosaic_0001>
#map = affine_map<(d0, d1) -> (0, 0)>
#map1 = affine_map<(d0, d1) -> (0)>
module attributes {stable_mosaic.version = 14 : i64} {
  func.func @_sc_gather_kernel(%arg0: i32, %arg1: i32, %arg2: memref<100000x768xf32, #tpu.memory_space<hbm>>, %arg3: memref<32768xi32, #tpu.memory_space<hbm>>, %arg4: memref<32768x768xf32, #tpu.memory_space<hbm>>, %arg5: memref<1024xi32, #tpu.memory_space<vmem>>, %arg6: memref<4x32x768xf32, #tpu.memory_space<vmem>>, %arg7: memref<!tpu.dma_semaphore, #tpu.memory_space<semaphore_mem>>, %arg8: memref<!tpu.dma_semaphore, #tpu.memory_space<semaphore_mem>>, %arg9: memref<!tpu.dma_semaphore, #tpu.memory_space<semaphore_mem>>, %arg10: memref<!tpu.dma_semaphore, #tpu.memory_space<semaphore_mem>>, %arg11: memref<!tpu.dma_semaphore, #tpu.memory_space<semaphore_mem>>, %arg12: memref<!tpu.dma_semaphore, #tpu.memory_space<semaphore_mem>>, %arg13: memref<!tpu.dma_semaphore, #tpu.memory_space<semaphore_mem>>, %arg14: memref<!tpu.dma_semaphore, #tpu.memory_space<semaphore_mem>>) attributes {dimension_semantics = [#tpu.dimension_semantics<core_parallel>, #tpu.dimension_semantics<subcore_parallel>], iteration_bounds = array<i64: 2, 16>, scalar_prefetch = 0 : i64, scratch_operands = 10 : i64, tpu.core_type = #tpu.core_type<sc_vector_subcore>, window_params = [{transform_indices = #map}, {transform_indices = #map1}, {transform_indices = #map}]} {
    %mul3A = arith.constant 2 : i32
    %mul3A_0 = arith.muli %arg1, %mul3A : i32
    %add3A = arith.addi %mul3A_0, %arg0 : i32
    %mul3A_1 = arith.constant 1024 : i32
    %mul3A_2 = arith.muli %add3A, %mul3A_1 : i32
    "tpu.region"() ({
      %run_scoped3A = tpu.sem_alloc : memref<!tpu.dma_semaphore, #tpu.memory_space<semaphore_mem>>
      %dma_start3A_56 = tpu.memref_slice %arg3[%mul3A_2] : memref<32768xi32, #tpu.memory_space<hbm>> -> memref<1024xi32, #tpu.memory_space<hbm>>
      %dma_start3A_57 = tpu.memref_slice %arg3[%mul3A_2] : memref<32768xi32, #tpu.memory_space<hbm>> -> memref<1024xi32, #tpu.memory_space<hbm>>
      tpu.enqueue_dma source(%dma_start3A_57 : memref<1024xi32, #tpu.memory_space<hbm>>) target(%arg5 : memref<1024xi32, #tpu.memory_space<vmem>>) target_semaphore(%run_scoped3A : memref<!tpu.dma_semaphore, #tpu.memory_space<semaphore_mem>>)
      %dma_wait3A_58 = tpu.memref_slice %arg3[%mul3A_2] : memref<32768xi32, #tpu.memory_space<hbm>> -> memref<1024xi32, #tpu.memory_space<hbm>>
      %dma_wait3A_59 = tpu.memref_slice %arg3[%mul3A_2] : memref<32768xi32, #tpu.memory_space<hbm>> -> memref<1024xi32, #tpu.memory_space<hbm>>
      tpu.wait_dma2 semaphore(%run_scoped3A : memref<!tpu.dma_semaphore, #tpu.memory_space<semaphore_mem>>) src(%dma_wait3A_59 : memref<1024xi32, #tpu.memory_space<hbm>>) dst(%arg5 : memref<1024xi32, #tpu.memory_space<vmem>>)
      tpu.yield
    }) : () -> ()
    %dma_start3A = arith.constant 0 : i32
    %dma_start3A_3 = arith.constant 0 : i32
    %dma_start3A_4 = arith.constant 0 : i32
    %dma_start3A_5 = tpu.memref_slice %arg6[%dma_start3A, %dma_start3A_3, %dma_start3A_4] : memref<4x32x768xf32, #tpu.memory_space<vmem>> -> memref<1x32x768xf32, #tpu.memory_space<vmem>>
    %dma_start3A_6 = tpu.memref_squeeze %dma_start3A_5 : memref<1x32x768xf32, #tpu.memory_space<vmem>> -> memref<32x768xf32, #tpu.memory_space<vmem>>
    %dma_start3A_7 = arith.constant 0 : i32
    %dma_start3A_8 = tpu.memref_slice %arg5[%dma_start3A_7] : memref<1024xi32, #tpu.memory_space<vmem>> -> memref<32xi32, #tpu.memory_space<vmem>>
    %dma_start3A_9 = arith.constant 0 : i32
    %dma_start3A_10 = arith.constant 0 : i32
    %dma_start3A_11 = tpu.memref_slice %arg2[%dma_start3A_9, %dma_start3A_10] : memref<100000x768xf32, #tpu.memory_space<hbm>> -> memref<100000x768xf32, #tpu.memory_space<hbm>>
    tpu.enqueue_indirect_dma source(%dma_start3A_11 : memref<100000x768xf32, #tpu.memory_space<hbm>>) target(%dma_start3A_6 : memref<32x768xf32, #tpu.memory_space<vmem>>) offsets(%dma_start3A_8 : memref<32xi32, #tpu.memory_space<vmem>>) semaphore(%arg7 : memref<!tpu.dma_semaphore, #tpu.memory_space<semaphore_mem>>)
    %dma_start3A_12 = arith.constant 1 : i32
    %dma_start3A_13 = arith.constant 0 : i32
    %dma_start3A_14 = arith.constant 0 : i32
    %dma_start3A_15 = tpu.memref_slice %arg6[%dma_start3A_12, %dma_start3A_13, %dma_start3A_14] : memref<4x32x768xf32, #tpu.memory_space<vmem>> -> memref<1x32x768xf32, #tpu.memory_space<vmem>>
    %dma_start3A_16 = tpu.memref_squeeze %dma_start3A_15 : memref<1x32x768xf32, #tpu.memory_space<vmem>> -> memref<32x768xf32, #tpu.memory_space<vmem>>
    %dma_start3A_17 = arith.constant 32 : i32
    %dma_start3A_18 = tpu.memref_slice %arg5[%dma_start3A_17] : memref<1024xi32, #tpu.memory_space<vmem>> -> memref<32xi32, #tpu.memory_space<vmem>>
    %dma_start3A_19 = arith.constant 0 : i32
    %dma_start3A_20 = arith.constant 0 : i32
    %dma_start3A_21 = tpu.memref_slice %arg2[%dma_start3A_19, %dma_start3A_20] : memref<100000x768xf32, #tpu.memory_space<hbm>> -> memref<100000x768xf32, #tpu.memory_space<hbm>>
    tpu.enqueue_indirect_dma source(%dma_start3A_21 : memref<100000x768xf32, #tpu.memory_space<hbm>>) target(%dma_start3A_16 : memref<32x768xf32, #tpu.memory_space<vmem>>) offsets(%dma_start3A_18 : memref<32xi32, #tpu.memory_space<vmem>>) semaphore(%arg8 : memref<!tpu.dma_semaphore, #tpu.memory_space<semaphore_mem>>)
    %scan3A = arith.constant 0 : i32
    %scan3A_22 = arith.constant 0 : i32
    %scan3A_23 = arith.constant 8 : i32
    %scan3A_24 = arith.addi %scan3A_22, %scan3A_23 : i32
    %scan3A_25 = arith.constant 1 : i32
    scf.for %scan3A_56 = %scan3A_22 to %scan3A_24 step %scan3A_25  : i32 {
      %mul3A_57 = arith.constant 4 : i32
      %mul3A_58 = arith.muli %scan3A_56, %mul3A_57 : i32
      %add3A_59 = arith.constant 0 : i32
      %add3A_60 = arith.addi %mul3A_58, %add3A_59 : i32
      %dma_wait3A_61 = arith.constant 0 : i32
      %dma_wait3A_62 = arith.constant 0 : i32
      %dma_wait3A_63 = arith.constant 0 : i32
      %dma_wait3A_64 = tpu.memref_slice %arg6[%dma_wait3A_61, %dma_wait3A_62, %dma_wait3A_63] : memref<4x32x768xf32, #tpu.memory_space<vmem>> -> memref<1x32x768xf32, #tpu.memory_space<vmem>>
      %dma_wait3A_65 = tpu.memref_squeeze %dma_wait3A_64 : memref<1x32x768xf32, #tpu.memory_space<vmem>> -> memref<32x768xf32, #tpu.memory_space<vmem>>
      %dma_wait3A_66 = arith.constant 0 : i32
      %dma_wait3A_67 = arith.constant 0 : i32
      %dma_wait3A_68 = tpu.memref_slice %arg2[%dma_wait3A_66, %dma_wait3A_67] : memref<100000x768xf32, #tpu.memory_space<hbm>> -> memref<32x768xf32, #tpu.memory_space<hbm>>
      %dma_wait3A_69 = arith.constant 0 : i32
      %dma_wait3A_70 = arith.constant 0 : i32
      %dma_wait3A_71 = tpu.memref_slice %arg6[%dma_wait3A_61, %dma_wait3A_69, %dma_wait3A_70] : memref<4x32x768xf32, #tpu.memory_space<vmem>> -> memref<1x32x768xf32, #tpu.memory_space<vmem>>
      %dma_wait3A_72 = tpu.memref_squeeze %dma_wait3A_71 : memref<1x32x768xf32, #tpu.memory_space<vmem>> -> memref<32x768xf32, #tpu.memory_space<vmem>>
      %dma_wait3A_73 = arith.constant 0 : i32
      %dma_wait3A_74 = arith.constant 0 : i32
      %dma_wait3A_75 = tpu.memref_slice %arg2[%dma_wait3A_73, %dma_wait3A_74] : memref<100000x768xf32, #tpu.memory_space<hbm>> -> memref<32x768xf32, #tpu.memory_space<hbm>>
      tpu.wait_dma2 semaphore(%arg7 : memref<!tpu.dma_semaphore, #tpu.memory_space<semaphore_mem>>) src(%dma_wait3A_75 : memref<32x768xf32, #tpu.memory_space<hbm>>) dst(%dma_wait3A_72 : memref<32x768xf32, #tpu.memory_space<vmem>>)
      %mul3A_76 = arith.constant 32 : i32
      %mul3A_77 = arith.muli %add3A_60, %mul3A_76 : i32
      %add3A_78 = arith.addi %mul3A_2, %mul3A_77 : i32
      %dma_start3A_79 = arith.constant 0 : i32
      %dma_start3A_80 = arith.constant 0 : i32
      %dma_start3A_81 = arith.constant 0 : i32
      %dma_start3A_82 = tpu.memref_slice %arg6[%dma_start3A_79, %dma_start3A_80, %dma_start3A_81] : memref<4x32x768xf32, #tpu.memory_space<vmem>> -> memref<1x32x768xf32, #tpu.memory_space<vmem>>
      %dma_start3A_83 = tpu.memref_squeeze %dma_start3A_82 : memref<1x32x768xf32, #tpu.memory_space<vmem>> -> memref<32x768xf32, #tpu.memory_space<vmem>>
      %dma_start3A_84 = arith.constant 0 : i32
      %dma_start3A_85 = tpu.memref_slice %arg4[%add3A_78, %dma_start3A_84] : memref<32768x768xf32, #tpu.memory_space<hbm>> -> memref<32x768xf32, #tpu.memory_space<hbm>>
      %dma_start3A_86 = arith.constant 0 : i32
      %dma_start3A_87 = tpu.memref_slice %arg4[%add3A_78, %dma_start3A_86] : memref<32768x768xf32, #tpu.memory_space<hbm>> -> memref<32x768xf32, #tpu.memory_space<hbm>>
      %dma_start3A_88 = arith.constant 0 : i32
      %dma_start3A_89 = arith.constant 0 : i32
      %dma_start3A_90 = tpu.memref_slice %arg6[%dma_start3A_79, %dma_start3A_88, %dma_start3A_89] : memref<4x32x768xf32, #tpu.memory_space<vmem>> -> memref<1x32x768xf32, #tpu.memory_space<vmem>>
      %dma_start3A_91 = tpu.memref_squeeze %dma_start3A_90 : memref<1x32x768xf32, #tpu.memory_space<vmem>> -> memref<32x768xf32, #tpu.memory_space<vmem>>
      tpu.enqueue_dma source(%dma_start3A_91 : memref<32x768xf32, #tpu.memory_space<vmem>>) target(%dma_start3A_87 : memref<32x768xf32, #tpu.memory_space<hbm>>) target_semaphore(%arg11 : memref<!tpu.dma_semaphore, #tpu.memory_space<semaphore_mem>>)
      %ge3A = arith.constant 2 : i32
      %ge3A_92 = arith.cmpi sge, %add3A_60, %ge3A : i32
      %convert_element_type3A = arith.extui %ge3A_92 : i1 to i32
      %cond3A = arith.constant 0 : i32
      %cond3A_93 = arith.cmpi ne, %convert_element_type3A, %cond3A : i32
      scf.if %cond3A_93 {
        %dma_wait3A_241 = arith.constant 2 : i32
        %dma_wait3A_242 = arith.constant 0 : i32
        %dma_wait3A_243 = arith.constant 0 : i32
        %dma_wait3A_244 = tpu.memref_slice %arg6[%dma_wait3A_241, %dma_wait3A_242, %dma_wait3A_243] : memref<4x32x768xf32, #tpu.memory_space<vmem>> -> memref<1x32x768xf32, #tpu.memory_space<vmem>>
        %dma_wait3A_245 = tpu.memref_squeeze %dma_wait3A_244 : memref<1x32x768xf32, #tpu.memory_space<vmem>> -> memref<32x768xf32, #tpu.memory_space<vmem>>
        %dma_wait3A_246 = arith.constant 0 : i32
        %dma_wait3A_247 = arith.constant 0 : i32
        %dma_wait3A_248 = tpu.memref_slice %arg2[%dma_wait3A_246, %dma_wait3A_247] : memref<100000x768xf32, #tpu.memory_space<hbm>> -> memref<32x768xf32, #tpu.memory_space<hbm>>
        %dma_wait3A_249 = arith.constant 0 : i32
        %dma_wait3A_250 = arith.constant 0 : i32
        %dma_wait3A_251 = tpu.memref_slice %arg6[%dma_wait3A_241, %dma_wait3A_249, %dma_wait3A_250] : memref<4x32x768xf32, #tpu.memory_space<vmem>> -> memref<1x32x768xf32, #tpu.memory_space<vmem>>
        %dma_wait3A_252 = tpu.memref_squeeze %dma_wait3A_251 : memref<1x32x768xf32, #tpu.memory_space<vmem>> -> memref<32x768xf32, #tpu.memory_space<vmem>>
        %dma_wait3A_253 = arith.constant 0 : i32
        %dma_wait3A_254 = arith.constant 0 : i32
        %dma_wait3A_255 = tpu.memref_slice %arg2[%dma_wait3A_253, %dma_wait3A_254] : memref<100000x768xf32, #tpu.memory_space<hbm>> -> memref<32x768xf32, #tpu.memory_space<hbm>>
        tpu.wait_dma2 semaphore(%arg13 : memref<!tpu.dma_semaphore, #tpu.memory_space<semaphore_mem>>) src(%dma_wait3A_255 : memref<32x768xf32, #tpu.memory_space<hbm>>) dst(%dma_wait3A_252 : memref<32x768xf32, #tpu.memory_space<vmem>>)
      } else {
      }
      %add3A_94 = arith.constant 2 : i32
      %add3A_95 = arith.addi %add3A_60, %add3A_94 : i32
      %lt3A = arith.constant 32 : i32
      %lt3A_96 = arith.cmpi slt, %add3A_95, %lt3A : i32
      %convert_element_type3A_97 = arith.extui %lt3A_96 : i1 to i32
      %cond3A_98 = arith.constant 0 : i32
      %cond3A_99 = arith.cmpi ne, %convert_element_type3A_97, %cond3A_98 : i32
      scf.if %cond3A_99 {
        %add3A_241 = arith.constant 2 : i32
        %add3A_242 = arith.addi %add3A_60, %add3A_241 : i32
        %mul3A_243 = arith.constant 32 : i32
        %mul3A_244 = arith.muli %add3A_242, %mul3A_243 : i32
        %dma_start3A_245 = arith.constant 2 : i32
        %dma_start3A_246 = arith.constant 0 : i32
        %dma_start3A_247 = arith.constant 0 : i32
        %dma_start3A_248 = tpu.memref_slice %arg6[%dma_start3A_245, %dma_start3A_246, %dma_start3A_247] : memref<4x32x768xf32, #tpu.memory_space<vmem>> -> memref<1x32x768xf32, #tpu.memory_space<vmem>>
        %dma_start3A_249 = tpu.memref_squeeze %dma_start3A_248 : memref<1x32x768xf32, #tpu.memory_space<vmem>> -> memref<32x768xf32, #tpu.memory_space<vmem>>
        %dma_start3A_250 = tpu.memref_slice %arg5[%mul3A_244] : memref<1024xi32, #tpu.memory_space<vmem>> -> memref<32xi32, #tpu.memory_space<vmem>>
        %dma_start3A_251 = arith.constant 0 : i32
        %dma_start3A_252 = arith.constant 0 : i32
        %dma_start3A_253 = tpu.memref_slice %arg2[%dma_start3A_251, %dma_start3A_252] : memref<100000x768xf32, #tpu.memory_space<hbm>> -> memref<100000x768xf32, #tpu.memory_space<hbm>>
        tpu.enqueue_indirect_dma source(%dma_start3A_253 : memref<100000x768xf32, #tpu.memory_space<hbm>>) target(%dma_start3A_249 : memref<32x768xf32, #tpu.memory_space<vmem>>) offsets(%dma_start3A_250 : memref<32xi32, #tpu.memory_space<vmem>>) semaphore(%arg9 : memref<!tpu.dma_semaphore, #tpu.memory_space<semaphore_mem>>)
      } else {
      }
      %mul3A_100 = arith.constant 4 : i32
      %mul3A_101 = arith.muli %scan3A_56, %mul3A_100 : i32
      %add3A_102 = arith.constant 1 : i32
      %add3A_103 = arith.addi %mul3A_101, %add3A_102 : i32
      %dma_wait3A_104 = arith.constant 1 : i32
      %dma_wait3A_105 = arith.constant 0 : i32
      %dma_wait3A_106 = arith.constant 0 : i32
      %dma_wait3A_107 = tpu.memref_slice %arg6[%dma_wait3A_104, %dma_wait3A_105, %dma_wait3A_106] : memref<4x32x768xf32, #tpu.memory_space<vmem>> -> memref<1x32x768xf32, #tpu.memory_space<vmem>>
      %dma_wait3A_108 = tpu.memref_squeeze %dma_wait3A_107 : memref<1x32x768xf32, #tpu.memory_space<vmem>> -> memref<32x768xf32, #tpu.memory_space<vmem>>
      %dma_wait3A_109 = arith.constant 0 : i32
      %dma_wait3A_110 = arith.constant 0 : i32
      %dma_wait3A_111 = tpu.memref_slice %arg2[%dma_wait3A_109, %dma_wait3A_110] : memref<100000x768xf32, #tpu.memory_space<hbm>> -> memref<32x768xf32, #tpu.memory_space<hbm>>
      %dma_wait3A_112 = arith.constant 0 : i32
      %dma_wait3A_113 = arith.constant 0 : i32
      %dma_wait3A_114 = tpu.memref_slice %arg6[%dma_wait3A_104, %dma_wait3A_112, %dma_wait3A_113] : memref<4x32x768xf32, #tpu.memory_space<vmem>> -> memref<1x32x768xf32, #tpu.memory_space<vmem>>
      %dma_wait3A_115 = tpu.memref_squeeze %dma_wait3A_114 : memref<1x32x768xf32, #tpu.memory_space<vmem>> -> memref<32x768xf32, #tpu.memory_space<vmem>>
      %dma_wait3A_116 = arith.constant 0 : i32
      %dma_wait3A_117 = arith.constant 0 : i32
      %dma_wait3A_118 = tpu.memref_slice %arg2[%dma_wait3A_116, %dma_wait3A_117] : memref<100000x768xf32, #tpu.memory_space<hbm>> -> memref<32x768xf32, #tpu.memory_space<hbm>>
      tpu.wait_dma2 semaphore(%arg8 : memref<!tpu.dma_semaphore, #tpu.memory_space<semaphore_mem>>) src(%dma_wait3A_118 : memref<32x768xf32, #tpu.memory_space<hbm>>) dst(%dma_wait3A_115 : memref<32x768xf32, #tpu.memory_space<vmem>>)
      %mul3A_119 = arith.constant 32 : i32
      %mul3A_120 = arith.muli %add3A_103, %mul3A_119 : i32
      %add3A_121 = arith.addi %mul3A_2, %mul3A_120 : i32
      %dma_start3A_122 = arith.constant 1 : i32
      %dma_start3A_123 = arith.constant 0 : i32
      %dma_start3A_124 = arith.constant 0 : i32
      %dma_start3A_125 = tpu.memref_slice %arg6[%dma_start3A_122, %dma_start3A_123, %dma_start3A_124] : memref<4x32x768xf32, #tpu.memory_space<vmem>> -> memref<1x32x768xf32, #tpu.memory_space<vmem>>
      %dma_start3A_126 = tpu.memref_squeeze %dma_start3A_125 : memref<1x32x768xf32, #tpu.memory_space<vmem>> -> memref<32x768xf32, #tpu.memory_space<vmem>>
      %dma_start3A_127 = arith.constant 0 : i32
      %dma_start3A_128 = tpu.memref_slice %arg4[%add3A_121, %dma_start3A_127] : memref<32768x768xf32, #tpu.memory_space<hbm>> -> memref<32x768xf32, #tpu.memory_space<hbm>>
      %dma_start3A_129 = arith.constant 0 : i32
      %dma_start3A_130 = tpu.memref_slice %arg4[%add3A_121, %dma_start3A_129] : memref<32768x768xf32, #tpu.memory_space<hbm>> -> memref<32x768xf32, #tpu.memory_space<hbm>>
      %dma_start3A_131 = arith.constant 0 : i32
      %dma_start3A_132 = arith.constant 0 : i32
      %dma_start3A_133 = tpu.memref_slice %arg6[%dma_start3A_122, %dma_start3A_131, %dma_start3A_132] : memref<4x32x768xf32, #tpu.memory_space<vmem>> -> memref<1x32x768xf32, #tpu.memory_space<vmem>>
      %dma_start3A_134 = tpu.memref_squeeze %dma_start3A_133 : memref<1x32x768xf32, #tpu.memory_space<vmem>> -> memref<32x768xf32, #tpu.memory_space<vmem>>
      tpu.enqueue_dma source(%dma_start3A_134 : memref<32x768xf32, #tpu.memory_space<vmem>>) target(%dma_start3A_130 : memref<32x768xf32, #tpu.memory_space<hbm>>) target_semaphore(%arg12 : memref<!tpu.dma_semaphore, #tpu.memory_space<semaphore_mem>>)
      %ge3A_135 = arith.constant 2 : i32
      %ge3A_136 = arith.cmpi sge, %add3A_103, %ge3A_135 : i32
      %convert_element_type3A_137 = arith.extui %ge3A_136 : i1 to i32
      %cond3A_138 = arith.constant 0 : i32
      %cond3A_139 = arith.cmpi ne, %convert_element_type3A_137, %cond3A_138 : i32
      scf.if %cond3A_139 {
        %dma_wait3A_241 = arith.constant 3 : i32
        %dma_wait3A_242 = arith.constant 0 : i32
        %dma_wait3A_243 = arith.constant 0 : i32
        %dma_wait3A_244 = tpu.memref_slice %arg6[%dma_wait3A_241, %dma_wait3A_242, %dma_wait3A_243] : memref<4x32x768xf32, #tpu.memory_space<vmem>> -> memref<1x32x768xf32, #tpu.memory_space<vmem>>
        %dma_wait3A_245 = tpu.memref_squeeze %dma_wait3A_244 : memref<1x32x768xf32, #tpu.memory_space<vmem>> -> memref<32x768xf32, #tpu.memory_space<vmem>>
        %dma_wait3A_246 = arith.constant 0 : i32
        %dma_wait3A_247 = arith.constant 0 : i32
        %dma_wait3A_248 = tpu.memref_slice %arg2[%dma_wait3A_246, %dma_wait3A_247] : memref<100000x768xf32, #tpu.memory_space<hbm>> -> memref<32x768xf32, #tpu.memory_space<hbm>>
        %dma_wait3A_249 = arith.constant 0 : i32
        %dma_wait3A_250 = arith.constant 0 : i32
        %dma_wait3A_251 = tpu.memref_slice %arg6[%dma_wait3A_241, %dma_wait3A_249, %dma_wait3A_250] : memref<4x32x768xf32, #tpu.memory_space<vmem>> -> memref<1x32x768xf32, #tpu.memory_space<vmem>>
        %dma_wait3A_252 = tpu.memref_squeeze %dma_wait3A_251 : memref<1x32x768xf32, #tpu.memory_space<vmem>> -> memref<32x768xf32, #tpu.memory_space<vmem>>
        %dma_wait3A_253 = arith.constant 0 : i32
        %dma_wait3A_254 = arith.constant 0 : i32
        %dma_wait3A_255 = tpu.memref_slice %arg2[%dma_wait3A_253, %dma_wait3A_254] : memref<100000x768xf32, #tpu.memory_space<hbm>> -> memref<32x768xf32, #tpu.memory_space<hbm>>
        tpu.wait_dma2 semaphore(%arg14 : memref<!tpu.dma_semaphore, #tpu.memory_space<semaphore_mem>>) src(%dma_wait3A_255 : memref<32x768xf32, #tpu.memory_space<hbm>>) dst(%dma_wait3A_252 : memref<32x768xf32, #tpu.memory_space<vmem>>)
      } else {
      }
      %add3A_140 = arith.constant 2 : i32
      %add3A_141 = arith.addi %add3A_103, %add3A_140 : i32
      %lt3A_142 = arith.constant 32 : i32
      %lt3A_143 = arith.cmpi slt, %add3A_141, %lt3A_142 : i32
      %convert_element_type3A_144 = arith.extui %lt3A_143 : i1 to i32
      %cond3A_145 = arith.constant 0 : i32
      %cond3A_146 = arith.cmpi ne, %convert_element_type3A_144, %cond3A_145 : i32
      scf.if %cond3A_146 {
        %add3A_241 = arith.constant 2 : i32
        %add3A_242 = arith.addi %add3A_103, %add3A_241 : i32
        %mul3A_243 = arith.constant 32 : i32
        %mul3A_244 = arith.muli %add3A_242, %mul3A_243 : i32
        %dma_start3A_245 = arith.constant 3 : i32
        %dma_start3A_246 = arith.constant 0 : i32
        %dma_start3A_247 = arith.constant 0 : i32
        %dma_start3A_248 = tpu.memref_slice %arg6[%dma_start3A_245, %dma_start3A_246, %dma_start3A_247] : memref<4x32x768xf32, #tpu.memory_space<vmem>> -> memref<1x32x768xf32, #tpu.memory_space<vmem>>
        %dma_start3A_249 = tpu.memref_squeeze %dma_start3A_248 : memref<1x32x768xf32, #tpu.memory_space<vmem>> -> memref<32x768xf32, #tpu.memory_space<vmem>>
        %dma_start3A_250 = tpu.memref_slice %arg5[%mul3A_244] : memref<1024xi32, #tpu.memory_space<vmem>> -> memref<32xi32, #tpu.memory_space<vmem>>
        %dma_start3A_251 = arith.constant 0 : i32
        %dma_start3A_252 = arith.constant 0 : i32
        %dma_start3A_253 = tpu.memref_slice %arg2[%dma_start3A_251, %dma_start3A_252] : memref<100000x768xf32, #tpu.memory_space<hbm>> -> memref<100000x768xf32, #tpu.memory_space<hbm>>
        tpu.enqueue_indirect_dma source(%dma_start3A_253 : memref<100000x768xf32, #tpu.memory_space<hbm>>) target(%dma_start3A_249 : memref<32x768xf32, #tpu.memory_space<vmem>>) offsets(%dma_start3A_250 : memref<32xi32, #tpu.memory_space<vmem>>) semaphore(%arg10 : memref<!tpu.dma_semaphore, #tpu.memory_space<semaphore_mem>>)
      } else {
      }
      %mul3A_147 = arith.constant 4 : i32
      %mul3A_148 = arith.muli %scan3A_56, %mul3A_147 : i32
      %add3A_149 = arith.constant 2 : i32
      %add3A_150 = arith.addi %mul3A_148, %add3A_149 : i32
      %dma_wait3A_151 = arith.constant 2 : i32
      %dma_wait3A_152 = arith.constant 0 : i32
      %dma_wait3A_153 = arith.constant 0 : i32
      %dma_wait3A_154 = tpu.memref_slice %arg6[%dma_wait3A_151, %dma_wait3A_152, %dma_wait3A_153] : memref<4x32x768xf32, #tpu.memory_space<vmem>> -> memref<1x32x768xf32, #tpu.memory_space<vmem>>
      %dma_wait3A_155 = tpu.memref_squeeze %dma_wait3A_154 : memref<1x32x768xf32, #tpu.memory_space<vmem>> -> memref<32x768xf32, #tpu.memory_space<vmem>>
      %dma_wait3A_156 = arith.constant 0 : i32
      %dma_wait3A_157 = arith.constant 0 : i32
      %dma_wait3A_158 = tpu.memref_slice %arg2[%dma_wait3A_156, %dma_wait3A_157] : memref<100000x768xf32, #tpu.memory_space<hbm>> -> memref<32x768xf32, #tpu.memory_space<hbm>>
      %dma_wait3A_159 = arith.constant 0 : i32
      %dma_wait3A_160 = arith.constant 0 : i32
      %dma_wait3A_161 = tpu.memref_slice %arg6[%dma_wait3A_151, %dma_wait3A_159, %dma_wait3A_160] : memref<4x32x768xf32, #tpu.memory_space<vmem>> -> memref<1x32x768xf32, #tpu.memory_space<vmem>>
      %dma_wait3A_162 = tpu.memref_squeeze %dma_wait3A_161 : memref<1x32x768xf32, #tpu.memory_space<vmem>> -> memref<32x768xf32, #tpu.memory_space<vmem>>
      %dma_wait3A_163 = arith.constant 0 : i32
      %dma_wait3A_164 = arith.constant 0 : i32
      %dma_wait3A_165 = tpu.memref_slice %arg2[%dma_wait3A_163, %dma_wait3A_164] : memref<100000x768xf32, #tpu.memory_space<hbm>> -> memref<32x768xf32, #tpu.memory_space<hbm>>
      tpu.wait_dma2 semaphore(%arg9 : memref<!tpu.dma_semaphore, #tpu.memory_space<semaphore_mem>>) src(%dma_wait3A_165 : memref<32x768xf32, #tpu.memory_space<hbm>>) dst(%dma_wait3A_162 : memref<32x768xf32, #tpu.memory_space<vmem>>)
      %mul3A_166 = arith.constant 32 : i32
      %mul3A_167 = arith.muli %add3A_150, %mul3A_166 : i32
      %add3A_168 = arith.addi %mul3A_2, %mul3A_167 : i32
      %dma_start3A_169 = arith.constant 2 : i32
      %dma_start3A_170 = arith.constant 0 : i32
      %dma_start3A_171 = arith.constant 0 : i32
      %dma_start3A_172 = tpu.memref_slice %arg6[%dma_start3A_169, %dma_start3A_170, %dma_start3A_171] : memref<4x32x768xf32, #tpu.memory_space<vmem>> -> memref<1x32x768xf32, #tpu.memory_space<vmem>>
      %dma_start3A_173 = tpu.memref_squeeze %dma_start3A_172 : memref<1x32x768xf32, #tpu.memory_space<vmem>> -> memref<32x768xf32, #tpu.memory_space<vmem>>
      %dma_start3A_174 = arith.constant 0 : i32
      %dma_start3A_175 = tpu.memref_slice %arg4[%add3A_168, %dma_start3A_174] : memref<32768x768xf32, #tpu.memory_space<hbm>> -> memref<32x768xf32, #tpu.memory_space<hbm>>
      %dma_start3A_176 = arith.constant 0 : i32
      %dma_start3A_177 = tpu.memref_slice %arg4[%add3A_168, %dma_start3A_176] : memref<32768x768xf32, #tpu.memory_space<hbm>> -> memref<32x768xf32, #tpu.memory_space<hbm>>
      %dma_start3A_178 = arith.constant 0 : i32
      %dma_start3A_179 = arith.constant 0 : i32
      %dma_start3A_180 = tpu.memref_slice %arg6[%dma_start3A_169, %dma_start3A_178, %dma_start3A_179] : memref<4x32x768xf32, #tpu.memory_space<vmem>> -> memref<1x32x768xf32, #tpu.memory_space<vmem>>
      %dma_start3A_181 = tpu.memref_squeeze %dma_start3A_180 : memref<1x32x768xf32, #tpu.memory_space<vmem>> -> memref<32x768xf32, #tpu.memory_space<vmem>>
      tpu.enqueue_dma source(%dma_start3A_181 : memref<32x768xf32, #tpu.memory_space<vmem>>) target(%dma_start3A_177 : memref<32x768xf32, #tpu.memory_space<hbm>>) target_semaphore(%arg13 : memref<!tpu.dma_semaphore, #tpu.memory_space<semaphore_mem>>)
      %ge3A_182 = arith.constant 2 : i32
      %ge3A_183 = arith.cmpi sge, %add3A_150, %ge3A_182 : i32
      %convert_element_type3A_184 = arith.extui %ge3A_183 : i1 to i32
      %cond3A_185 = arith.constant 0 : i32
      %cond3A_186 = arith.cmpi ne, %convert_element_type3A_184, %cond3A_185 : i32
      scf.if %cond3A_186 {
        %dma_wait3A_241 = arith.constant 0 : i32
        %dma_wait3A_242 = arith.constant 0 : i32
        %dma_wait3A_243 = arith.constant 0 : i32
        %dma_wait3A_244 = tpu.memref_slice %arg6[%dma_wait3A_241, %dma_wait3A_242, %dma_wait3A_243] : memref<4x32x768xf32, #tpu.memory_space<vmem>> -> memref<1x32x768xf32, #tpu.memory_space<vmem>>
        %dma_wait3A_245 = tpu.memref_squeeze %dma_wait3A_244 : memref<1x32x768xf32, #tpu.memory_space<vmem>> -> memref<32x768xf32, #tpu.memory_space<vmem>>
        %dma_wait3A_246 = arith.constant 0 : i32
        %dma_wait3A_247 = arith.constant 0 : i32
        %dma_wait3A_248 = tpu.memref_slice %arg2[%dma_wait3A_246, %dma_wait3A_247] : memref<100000x768xf32, #tpu.memory_space<hbm>> -> memref<32x768xf32, #tpu.memory_space<hbm>>
        %dma_wait3A_249 = arith.constant 0 : i32
        %dma_wait3A_250 = arith.constant 0 : i32
        %dma_wait3A_251 = tpu.memref_slice %arg6[%dma_wait3A_241, %dma_wait3A_249, %dma_wait3A_250] : memref<4x32x768xf32, #tpu.memory_space<vmem>> -> memref<1x32x768xf32, #tpu.memory_space<vmem>>
        %dma_wait3A_252 = tpu.memref_squeeze %dma_wait3A_251 : memref<1x32x768xf32, #tpu.memory_space<vmem>> -> memref<32x768xf32, #tpu.memory_space<vmem>>
        %dma_wait3A_253 = arith.constant 0 : i32
        %dma_wait3A_254 = arith.constant 0 : i32
        %dma_wait3A_255 = tpu.memref_slice %arg2[%dma_wait3A_253, %dma_wait3A_254] : memref<100000x768xf32, #tpu.memory_space<hbm>> -> memref<32x768xf32, #tpu.memory_space<hbm>>
        tpu.wait_dma2 semaphore(%arg11 : memref<!tpu.dma_semaphore, #tpu.memory_space<semaphore_mem>>) src(%dma_wait3A_255 : memref<32x768xf32, #tpu.memory_space<hbm>>) dst(%dma_wait3A_252 : memref<32x768xf32, #tpu.memory_space<vmem>>)
      } else {
      }
      %add3A_187 = arith.constant 2 : i32
      %add3A_188 = arith.addi %add3A_150, %add3A_187 : i32
      %lt3A_189 = arith.constant 32 : i32
      %lt3A_190 = arith.cmpi slt, %add3A_188, %lt3A_189 : i32
      %convert_element_type3A_191 = arith.extui %lt3A_190 : i1 to i32
      %cond3A_192 = arith.constant 0 : i32
      %cond3A_193 = arith.cmpi ne, %convert_element_type3A_191, %cond3A_192 : i32
      scf.if %cond3A_193 {
        %add3A_241 = arith.constant 2 : i32
        %add3A_242 = arith.addi %add3A_150, %add3A_241 : i32
        %mul3A_243 = arith.constant 32 : i32
        %mul3A_244 = arith.muli %add3A_242, %mul3A_243 : i32
        %dma_start3A_245 = arith.constant 0 : i32
        %dma_start3A_246 = arith.constant 0 : i32
        %dma_start3A_247 = arith.constant 0 : i32
        %dma_start3A_248 = tpu.memref_slice %arg6[%dma_start3A_245, %dma_start3A_246, %dma_start3A_247] : memref<4x32x768xf32, #tpu.memory_space<vmem>> -> memref<1x32x768xf32, #tpu.memory_space<vmem>>
        %dma_start3A_249 = tpu.memref_squeeze %dma_start3A_248 : memref<1x32x768xf32, #tpu.memory_space<vmem>> -> memref<32x768xf32, #tpu.memory_space<vmem>>
        %dma_start3A_250 = tpu.memref_slice %arg5[%mul3A_244] : memref<1024xi32, #tpu.memory_space<vmem>> -> memref<32xi32, #tpu.memory_space<vmem>>
        %dma_start3A_251 = arith.constant 0 : i32
        %dma_start3A_252 = arith.constant 0 : i32
        %dma_start3A_253 = tpu.memref_slice %arg2[%dma_start3A_251, %dma_start3A_252] : memref<100000x768xf32, #tpu.memory_space<hbm>> -> memref<100000x768xf32, #tpu.memory_space<hbm>>
        tpu.enqueue_indirect_dma source(%dma_start3A_253 : memref<100000x768xf32, #tpu.memory_space<hbm>>) target(%dma_start3A_249 : memref<32x768xf32, #tpu.memory_space<vmem>>) offsets(%dma_start3A_250 : memref<32xi32, #tpu.memory_space<vmem>>) semaphore(%arg7 : memref<!tpu.dma_semaphore, #tpu.memory_space<semaphore_mem>>)
      } else {
      }
      %mul3A_194 = arith.constant 4 : i32
      %mul3A_195 = arith.muli %scan3A_56, %mul3A_194 : i32
      %add3A_196 = arith.constant 3 : i32
      %add3A_197 = arith.addi %mul3A_195, %add3A_196 : i32
      %dma_wait3A_198 = arith.constant 3 : i32
      %dma_wait3A_199 = arith.constant 0 : i32
      %dma_wait3A_200 = arith.constant 0 : i32
      %dma_wait3A_201 = tpu.memref_slice %arg6[%dma_wait3A_198, %dma_wait3A_199, %dma_wait3A_200] : memref<4x32x768xf32, #tpu.memory_space<vmem>> -> memref<1x32x768xf32, #tpu.memory_space<vmem>>
      %dma_wait3A_202 = tpu.memref_squeeze %dma_wait3A_201 : memref<1x32x768xf32, #tpu.memory_space<vmem>> -> memref<32x768xf32, #tpu.memory_space<vmem>>
      %dma_wait3A_203 = arith.constant 0 : i32
      %dma_wait3A_204 = arith.constant 0 : i32
      %dma_wait3A_205 = tpu.memref_slice %arg2[%dma_wait3A_203, %dma_wait3A_204] : memref<100000x768xf32, #tpu.memory_space<hbm>> -> memref<32x768xf32, #tpu.memory_space<hbm>>
      %dma_wait3A_206 = arith.constant 0 : i32
      %dma_wait3A_207 = arith.constant 0 : i32
      %dma_wait3A_208 = tpu.memref_slice %arg6[%dma_wait3A_198, %dma_wait3A_206, %dma_wait3A_207] : memref<4x32x768xf32, #tpu.memory_space<vmem>> -> memref<1x32x768xf32, #tpu.memory_space<vmem>>
      %dma_wait3A_209 = tpu.memref_squeeze %dma_wait3A_208 : memref<1x32x768xf32, #tpu.memory_space<vmem>> -> memref<32x768xf32, #tpu.memory_space<vmem>>
      %dma_wait3A_210 = arith.constant 0 : i32
      %dma_wait3A_211 = arith.constant 0 : i32
      %dma_wait3A_212 = tpu.memref_slice %arg2[%dma_wait3A_210, %dma_wait3A_211] : memref<100000x768xf32, #tpu.memory_space<hbm>> -> memref<32x768xf32, #tpu.memory_space<hbm>>
      tpu.wait_dma2 semaphore(%arg10 : memref<!tpu.dma_semaphore, #tpu.memory_space<semaphore_mem>>) src(%dma_wait3A_212 : memref<32x768xf32, #tpu.memory_space<hbm>>) dst(%dma_wait3A_209 : memref<32x768xf32, #tpu.memory_space<vmem>>)
      %mul3A_213 = arith.constant 32 : i32
      %mul3A_214 = arith.muli %add3A_197, %mul3A_213 : i32
      %add3A_215 = arith.addi %mul3A_2, %mul3A_214 : i32
      %dma_start3A_216 = arith.constant 3 : i32
      %dma_start3A_217 = arith.constant 0 : i32
      %dma_start3A_218 = arith.constant 0 : i32
      %dma_start3A_219 = tpu.memref_slice %arg6[%dma_start3A_216, %dma_start3A_217, %dma_start3A_218] : memref<4x32x768xf32, #tpu.memory_space<vmem>> -> memref<1x32x768xf32, #tpu.memory_space<vmem>>
      %dma_start3A_220 = tpu.memref_squeeze %dma_start3A_219 : memref<1x32x768xf32, #tpu.memory_space<vmem>> -> memref<32x768xf32, #tpu.memory_space<vmem>>
      %dma_start3A_221 = arith.constant 0 : i32
      %dma_start3A_222 = tpu.memref_slice %arg4[%add3A_215, %dma_start3A_221] : memref<32768x768xf32, #tpu.memory_space<hbm>> -> memref<32x768xf32, #tpu.memory_space<hbm>>
      %dma_start3A_223 = arith.constant 0 : i32
      %dma_start3A_224 = tpu.memref_slice %arg4[%add3A_215, %dma_start3A_223] : memref<32768x768xf32, #tpu.memory_space<hbm>> -> memref<32x768xf32, #tpu.memory_space<hbm>>
      %dma_start3A_225 = arith.constant 0 : i32
      %dma_start3A_226 = arith.constant 0 : i32
      %dma_start3A_227 = tpu.memref_slice %arg6[%dma_start3A_216, %dma_start3A_225, %dma_start3A_226] : memref<4x32x768xf32, #tpu.memory_space<vmem>> -> memref<1x32x768xf32, #tpu.memory_space<vmem>>
      %dma_start3A_228 = tpu.memref_squeeze %dma_start3A_227 : memref<1x32x768xf32, #tpu.memory_space<vmem>> -> memref<32x768xf32, #tpu.memory_space<vmem>>
      tpu.enqueue_dma source(%dma_start3A_228 : memref<32x768xf32, #tpu.memory_space<vmem>>) target(%dma_start3A_224 : memref<32x768xf32, #tpu.memory_space<hbm>>) target_semaphore(%arg14 : memref<!tpu.dma_semaphore, #tpu.memory_space<semaphore_mem>>)
      %ge3A_229 = arith.constant 2 : i32
      %ge3A_230 = arith.cmpi sge, %add3A_197, %ge3A_229 : i32
      %convert_element_type3A_231 = arith.extui %ge3A_230 : i1 to i32
      %cond3A_232 = arith.constant 0 : i32
      %cond3A_233 = arith.cmpi ne, %convert_element_type3A_231, %cond3A_232 : i32
      scf.if %cond3A_233 {
        %dma_wait3A_241 = arith.constant 1 : i32
        %dma_wait3A_242 = arith.constant 0 : i32
        %dma_wait3A_243 = arith.constant 0 : i32
        %dma_wait3A_244 = tpu.memref_slice %arg6[%dma_wait3A_241, %dma_wait3A_242, %dma_wait3A_243] : memref<4x32x768xf32, #tpu.memory_space<vmem>> -> memref<1x32x768xf32, #tpu.memory_space<vmem>>
        %dma_wait3A_245 = tpu.memref_squeeze %dma_wait3A_244 : memref<1x32x768xf32, #tpu.memory_space<vmem>> -> memref<32x768xf32, #tpu.memory_space<vmem>>
        %dma_wait3A_246 = arith.constant 0 : i32
        %dma_wait3A_247 = arith.constant 0 : i32
        %dma_wait3A_248 = tpu.memref_slice %arg2[%dma_wait3A_246, %dma_wait3A_247] : memref<100000x768xf32, #tpu.memory_space<hbm>> -> memref<32x768xf32, #tpu.memory_space<hbm>>
        %dma_wait3A_249 = arith.constant 0 : i32
        %dma_wait3A_250 = arith.constant 0 : i32
        %dma_wait3A_251 = tpu.memref_slice %arg6[%dma_wait3A_241, %dma_wait3A_249, %dma_wait3A_250] : memref<4x32x768xf32, #tpu.memory_space<vmem>> -> memref<1x32x768xf32, #tpu.memory_space<vmem>>
        %dma_wait3A_252 = tpu.memref_squeeze %dma_wait3A_251 : memref<1x32x768xf32, #tpu.memory_space<vmem>> -> memref<32x768xf32, #tpu.memory_space<vmem>>
        %dma_wait3A_253 = arith.constant 0 : i32
        %dma_wait3A_254 = arith.constant 0 : i32
        %dma_wait3A_255 = tpu.memref_slice %arg2[%dma_wait3A_253, %dma_wait3A_254] : memref<100000x768xf32, #tpu.memory_space<hbm>> -> memref<32x768xf32, #tpu.memory_space<hbm>>
        tpu.wait_dma2 semaphore(%arg12 : memref<!tpu.dma_semaphore, #tpu.memory_space<semaphore_mem>>) src(%dma_wait3A_255 : memref<32x768xf32, #tpu.memory_space<hbm>>) dst(%dma_wait3A_252 : memref<32x768xf32, #tpu.memory_space<vmem>>)
      } else {
      }
      %add3A_234 = arith.constant 2 : i32
      %add3A_235 = arith.addi %add3A_197, %add3A_234 : i32
      %lt3A_236 = arith.constant 32 : i32
      %lt3A_237 = arith.cmpi slt, %add3A_235, %lt3A_236 : i32
      %convert_element_type3A_238 = arith.extui %lt3A_237 : i1 to i32
      %cond3A_239 = arith.constant 0 : i32
      %cond3A_240 = arith.cmpi ne, %convert_element_type3A_238, %cond3A_239 : i32
      scf.if %cond3A_240 {
        %add3A_241 = arith.constant 2 : i32
        %add3A_242 = arith.addi %add3A_197, %add3A_241 : i32
        %mul3A_243 = arith.constant 32 : i32
        %mul3A_244 = arith.muli %add3A_242, %mul3A_243 : i32
        %dma_start3A_245 = arith.constant 1 : i32
        %dma_start3A_246 = arith.constant 0 : i32
        %dma_start3A_247 = arith.constant 0 : i32
        %dma_start3A_248 = tpu.memref_slice %arg6[%dma_start3A_245, %dma_start3A_246, %dma_start3A_247] : memref<4x32x768xf32, #tpu.memory_space<vmem>> -> memref<1x32x768xf32, #tpu.memory_space<vmem>>
        %dma_start3A_249 = tpu.memref_squeeze %dma_start3A_248 : memref<1x32x768xf32, #tpu.memory_space<vmem>> -> memref<32x768xf32, #tpu.memory_space<vmem>>
        %dma_start3A_250 = tpu.memref_slice %arg5[%mul3A_244] : memref<1024xi32, #tpu.memory_space<vmem>> -> memref<32xi32, #tpu.memory_space<vmem>>
        %dma_start3A_251 = arith.constant 0 : i32
        %dma_start3A_252 = arith.constant 0 : i32
        %dma_start3A_253 = tpu.memref_slice %arg2[%dma_start3A_251, %dma_start3A_252] : memref<100000x768xf32, #tpu.memory_space<hbm>> -> memref<100000x768xf32, #tpu.memory_space<hbm>>
        tpu.enqueue_indirect_dma source(%dma_start3A_253 : memref<100000x768xf32, #tpu.memory_space<hbm>>) target(%dma_start3A_249 : memref<32x768xf32, #tpu.memory_space<vmem>>) offsets(%dma_start3A_250 : memref<32xi32, #tpu.memory_space<vmem>>) semaphore(%arg8 : memref<!tpu.dma_semaphore, #tpu.memory_space<semaphore_mem>>)
      } else {
      }
    }
    %scan3A_26 = arith.constant 8 : i32
    %dma_wait3A = arith.constant 2 : i32
    %dma_wait3A_27 = arith.constant 0 : i32
    %dma_wait3A_28 = arith.constant 0 : i32
    %dma_wait3A_29 = tpu.memref_slice %arg6[%dma_wait3A, %dma_wait3A_27, %dma_wait3A_28] : memref<4x32x768xf32, #tpu.memory_space<vmem>> -> memref<1x32x768xf32, #tpu.memory_space<vmem>>
    %dma_wait3A_30 = tpu.memref_squeeze %dma_wait3A_29 : memref<1x32x768xf32, #tpu.memory_space<vmem>> -> memref<32x768xf32, #tpu.memory_space<vmem>>
    %dma_wait3A_31 = arith.constant 0 : i32
    %dma_wait3A_32 = arith.constant 0 : i32
    %dma_wait3A_33 = tpu.memref_slice %arg2[%dma_wait3A_31, %dma_wait3A_32] : memref<100000x768xf32, #tpu.memory_space<hbm>> -> memref<32x768xf32, #tpu.memory_space<hbm>>
    %dma_wait3A_34 = arith.constant 0 : i32
    %dma_wait3A_35 = arith.constant 0 : i32
    %dma_wait3A_36 = tpu.memref_slice %arg6[%dma_wait3A, %dma_wait3A_34, %dma_wait3A_35] : memref<4x32x768xf32, #tpu.memory_space<vmem>> -> memref<1x32x768xf32, #tpu.memory_space<vmem>>
    %dma_wait3A_37 = tpu.memref_squeeze %dma_wait3A_36 : memref<1x32x768xf32, #tpu.memory_space<vmem>> -> memref<32x768xf32, #tpu.memory_space<vmem>>
    %dma_wait3A_38 = arith.constant 0 : i32
    %dma_wait3A_39 = arith.constant 0 : i32
    %dma_wait3A_40 = tpu.memref_slice %arg2[%dma_wait3A_38, %dma_wait3A_39] : memref<100000x768xf32, #tpu.memory_space<hbm>> -> memref<32x768xf32, #tpu.memory_space<hbm>>
    tpu.wait_dma2 semaphore(%arg13 : memref<!tpu.dma_semaphore, #tpu.memory_space<semaphore_mem>>) src(%dma_wait3A_40 : memref<32x768xf32, #tpu.memory_space<hbm>>) dst(%dma_wait3A_37 : memref<32x768xf32, #tpu.memory_space<vmem>>)
    %dma_wait3A_41 = arith.constant 3 : i32
    %dma_wait3A_42 = arith.constant 0 : i32
    %dma_wait3A_43 = arith.constant 0 : i32
    %dma_wait3A_44 = tpu.memref_slice %arg6[%dma_wait3A_41, %dma_wait3A_42, %dma_wait3A_43] : memref<4x32x768xf32, #tpu.memory_space<vmem>> -> memref<1x32x768xf32, #tpu.memory_space<vmem>>
    %dma_wait3A_45 = tpu.memref_squeeze %dma_wait3A_44 : memref<1x32x768xf32, #tpu.memory_space<vmem>> -> memref<32x768xf32, #tpu.memory_space<vmem>>
    %dma_wait3A_46 = arith.constant 0 : i32
    %dma_wait3A_47 = arith.constant 0 : i32
    %dma_wait3A_48 = tpu.memref_slice %arg2[%dma_wait3A_46, %dma_wait3A_47] : memref<100000x768xf32, #tpu.memory_space<hbm>> -> memref<32x768xf32, #tpu.memory_space<hbm>>
    %dma_wait3A_49 = arith.constant 0 : i32
    %dma_wait3A_50 = arith.constant 0 : i32
    %dma_wait3A_51 = tpu.memref_slice %arg6[%dma_wait3A_41, %dma_wait3A_49, %dma_wait3A_50] : memref<4x32x768xf32, #tpu.memory_space<vmem>> -> memref<1x32x768xf32, #tpu.memory_space<vmem>>
    %dma_wait3A_52 = tpu.memref_squeeze %dma_wait3A_51 : memref<1x32x768xf32, #tpu.memory_space<vmem>> -> memref<32x768xf32, #tpu.memory_space<vmem>>
    %dma_wait3A_53 = arith.constant 0 : i32
    %dma_wait3A_54 = arith.constant 0 : i32
    %dma_wait3A_55 = tpu.memref_slice %arg2[%dma_wait3A_53, %dma_wait3A_54] : memref<100000x768xf32, #tpu.memory_space<hbm>> -> memref<32x768xf32, #tpu.memory_space<hbm>>
    tpu.wait_dma2 semaphore(%arg14 : memref<!tpu.dma_semaphore, #tpu.memory_space<semaphore_mem>>) src(%dma_wait3A_55 : memref<32x768xf32, #tpu.memory_space<hbm>>) dst(%dma_wait3A_52 : memref<32x768xf32, #tpu.memory_space<vmem>>)
    return
  }
}

module attributes {stable_mosaic.version = 14 : i64} {
  func.func @_tc_finish_body(%arg0: memref<256x128xf32, #tpu.memory_space<vmem>>, %arg1: memref<256x128xf32, #tpu.memory_space<vmem>>, %arg2: memref<256x128xi32, #tpu.memory_space<vmem>>, %arg3: memref<2xf32, #tpu.memory_space<smem>>, %arg4: memref<256x128xi32, #tpu.memory_space<vmem>>, %arg5: memref<256x128xi32, #tpu.memory_space<vmem>>, %arg6: memref<256x128xi32, #tpu.memory_space<vmem>>, %arg7: memref<256x128xi32, #tpu.memory_space<vmem>>, %arg8: memref<1x1xf32, #tpu.memory_space<smem>>) attributes {dimension_semantics = [], scalar_prefetch = 0 : i64, scratch_operands = 0 : i64, tpu.core_type = #tpu.core_type<tc>} {
    %get3A = arith.constant 0 : index
    %get3A_0 = arith.constant 0 : index
    %get3A_1 = vector.load %arg0[%get3A, %get3A_0] : memref<256x128xf32, #tpu.memory_space<vmem>>, vector<256x128xf32>
    %get3A_2 = arith.constant 0 : index
    %get3A_3 = memref.load %arg3[%get3A_2] : memref<2xf32, #tpu.memory_space<smem>>
    %add3A = vector.broadcast %get3A_3 : f32 to vector<256x128xf32>
    %add3A_4 = arith.addf %get3A_1, %add3A : vector<256x128xf32>
    %get3A_5 = arith.constant 0 : index
    %get3A_6 = arith.constant 0 : index
    %get3A_7 = vector.load %arg1[%get3A_5, %get3A_6] : memref<256x128xf32, #tpu.memory_space<vmem>>, vector<256x128xf32>
    %get3A_8 = arith.constant 1 : index
    %get3A_9 = memref.load %arg3[%get3A_8] : memref<2xf32, #tpu.memory_space<smem>>
    %add3A_10 = vector.broadcast %get3A_9 : f32 to vector<256x128xf32>
    %add3A_11 = arith.addf %get3A_7, %add3A_10 : vector<256x128xf32>
    %get3A_12 = arith.constant 0 : index
    %get3A_13 = arith.constant 0 : index
    %get3A_14 = vector.load %arg2[%get3A_12, %get3A_13] : memref<256x128xi32, #tpu.memory_space<vmem>>, vector<256x128xi32>
    %convert_element_type3A = arith.sitofp %get3A_14 : vector<256x128xi32> to vector<256x128xf32>
    %logistic3A = arith.negf %add3A_4 : vector<256x128xf32>
    %logistic3A_15 = math.exp %logistic3A : vector<256x128xf32>
    %logistic3A_16 = arith.constant 1.000000e+00 : f32
    %logistic3A_17 = vector.broadcast %logistic3A_16 : f32 to vector<256x128xf32>
    %logistic3A_18 = arith.addf %logistic3A_17, %logistic3A_15 : vector<256x128xf32>
    %logistic3A_19 = arith.divf %logistic3A_17, %logistic3A_18 : vector<256x128xf32>
    %mul3A = arith.mulf %logistic3A_19, %convert_element_type3A : vector<256x128xf32>
    %logistic3A_20 = arith.negf %add3A_11 : vector<256x128xf32>
    %logistic3A_21 = math.exp %logistic3A_20 : vector<256x128xf32>
    %logistic3A_22 = arith.constant 1.000000e+00 : f32
    %logistic3A_23 = vector.broadcast %logistic3A_22 : f32 to vector<256x128xf32>
    %logistic3A_24 = arith.addf %logistic3A_23, %logistic3A_21 : vector<256x128xf32>
    %logistic3A_25 = arith.divf %logistic3A_23, %logistic3A_24 : vector<256x128xf32>
    %mul3A_26 = arith.mulf %logistic3A_25, %convert_element_type3A : vector<256x128xf32>
    %gt3A = arith.constant 5.000000e-01 : f32
    %gt3A_27 = vector.broadcast %gt3A : f32 to vector<256x128xf32>
    %gt3A_28 = arith.cmpf ogt, %mul3A, %gt3A_27 : vector<256x128xf32>
    %convert_element_type3A_29 = arith.extui %gt3A_28 : vector<256x128xi1> to vector<256x128xi32>
    %convert_element_type3A_30 = arith.sitofp %convert_element_type3A_29 : vector<256x128xi32> to vector<256x128xf32>
    %gt3A_31 = arith.constant 5.000000e-01 : f32
    %gt3A_32 = vector.broadcast %gt3A_31 : f32 to vector<256x128xf32>
    %gt3A_33 = arith.cmpf ogt, %mul3A_26, %gt3A_32 : vector<256x128xf32>
    %convert_element_type3A_34 = arith.extui %gt3A_33 : vector<256x128xi1> to vector<256x128xi32>
    %convert_element_type3A_35 = arith.sitofp %convert_element_type3A_34 : vector<256x128xi32> to vector<256x128xf32>
    %iota3A = tpu.iota {dimensions = array<i32: 0>} : vector<128x128xi32>
    %iota3A_36 = tpu.iota {dimensions = array<i32: 1>} : vector<128x128xi32>
    %le3A = arith.cmpi sle, %iota3A, %iota3A_36 : vector<128x128xi32>
    %convert_element_type3A_37 = arith.extui %le3A : vector<128x128xi1> to vector<128x128xi32>
    %convert_element_type3A_38 = arith.sitofp %convert_element_type3A_37 : vector<128x128xi32> to vector<128x128xf32>
    %dot_general3A = arith.constant dense<0.000000e+00> : vector<256x128xf32>
    %dot_general3A_39 = tpu.matmul %convert_element_type3A_30, %convert_element_type3A_38, %dot_general3A {dimension_numbers = #tpu.dot_dimension_numbers<[1], [0], [0], [1], [0, 0, 1, 1], [], []>, transpose_lhs_hint = false} : vector<256x128xf32>, vector<128x128xf32>, vector<256x128xf32> -> vector<256x128xf32>
    %dot_general3A_40 = arith.constant dense<0.000000e+00> : vector<256x128xf32>
    %dot_general3A_41 = tpu.matmul %convert_element_type3A_35, %convert_element_type3A_38, %dot_general3A_40 {dimension_numbers = #tpu.dot_dimension_numbers<[1], [0], [0], [1], [0, 0, 1, 1], [], []>, transpose_lhs_hint = false} : vector<256x128xf32>, vector<128x128xf32>, vector<256x128xf32> -> vector<256x128xf32>
    %iota3A_42 = tpu.iota {dimensions = array<i32: 0>} : vector<256x256xi32>
    %iota3A_43 = tpu.iota {dimensions = array<i32: 1>} : vector<256x256xi32>
    %jit3A = arith.constant 64 : i32
    %div3A = vector.broadcast %jit3A : i32 to vector<256x256xi32>
    %div3A_44 = arith.divsi %iota3A_42, %div3A : vector<256x256xi32>
    %sign3A = arith.constant 0 : i32
    %sign3A_45 = vector.broadcast %sign3A : i32 to vector<256x256xi32>
    %sign3A_46 = arith.cmpi sgt, %iota3A_42, %sign3A_45 : vector<256x256xi32>
    %sign3A_47 = arith.extui %sign3A_46 : vector<256x256xi1> to vector<256x256xi32>
    %sign3A_48 = arith.constant 0 : i32
    %sign3A_49 = vector.broadcast %sign3A_48 : i32 to vector<256x256xi32>
    %sign3A_50 = arith.cmpi slt, %iota3A_42, %sign3A_49 : vector<256x256xi32>
    %sign3A_51 = arith.extui %sign3A_50 : vector<256x256xi1> to vector<256x256xi32>
    %sign3A_52 = arith.subi %sign3A_47, %sign3A_51 : vector<256x256xi32>
    %sign3A_53 = arith.constant 0 : i32
    %sign3A_54 = arith.cmpi sgt, %jit3A, %sign3A_53 : i32
    %sign3A_55 = arith.extui %sign3A_54 : i1 to i32
    %sign3A_56 = arith.constant 0 : i32
    %sign3A_57 = arith.cmpi slt, %jit3A, %sign3A_56 : i32
    %sign3A_58 = arith.extui %sign3A_57 : i1 to i32
    %sign3A_59 = arith.subi %sign3A_55, %sign3A_58 : i32
    %ne3A = vector.broadcast %sign3A_59 : i32 to vector<256x256xi32>
    %ne3A_60 = arith.cmpi ne, %sign3A_52, %ne3A : vector<256x256xi32>
    %rem3A = vector.broadcast %jit3A : i32 to vector<256x256xi32>
    %rem3A_61 = arith.remsi %iota3A_42, %rem3A : vector<256x256xi32>
    %ne3A_62 = arith.constant 0 : i32
    %ne3A_63 = vector.broadcast %ne3A_62 : i32 to vector<256x256xi32>
    %ne3A_64 = arith.cmpi ne, %rem3A_61, %ne3A_63 : vector<256x256xi32>
    %and3A = arith.andi %ne3A_60, %ne3A_64 : vector<256x256xi1>
    %sub3A = arith.constant 1 : i32
    %sub3A_65 = vector.broadcast %sub3A : i32 to vector<256x256xi32>
    %sub3A_66 = arith.subi %div3A_44, %sub3A_65 : vector<256x256xi32>
    %select_n3A = arith.select %and3A, %sub3A_66, %div3A_44 : vector<256x256xi1>, vector<256x256xi32>
    %mul3A_67 = arith.constant 64 : i32
    %mul3A_68 = vector.broadcast %mul3A_67 : i32 to vector<256x256xi32>
    %mul3A_69 = arith.muli %select_n3A, %mul3A_68 : vector<256x256xi32>
    %lt3A = arith.cmpi slt, %iota3A_43, %iota3A_42 : vector<256x256xi32>
    %ge3A = arith.cmpi sge, %iota3A_43, %mul3A_69 : vector<256x256xi32>
    %and3A_70 = arith.andi %lt3A, %ge3A : vector<256x256xi1>
    %convert_element_type3A_71 = arith.extui %and3A_70 : vector<256x256xi1> to vector<256x256xi32>
    %convert_element_type3A_72 = arith.sitofp %convert_element_type3A_71 : vector<256x256xi32> to vector<256x256xf32>
    %slice3A = vector.extract_strided_slice %dot_general3A_39 {offsets = [0, 127], sizes = [256, 1], strides = [1, 1]} : vector<256x128xf32> to vector<256x1xf32>
    %slice3A_73 = vector.extract_strided_slice %dot_general3A_41 {offsets = [0, 127], sizes = [256, 1], strides = [1, 1]} : vector<256x128xf32> to vector<256x1xf32>
    %dot_general3A_74 = arith.constant dense<0.000000e+00> : vector<256x1xf32>
    %dot_general3A_75 = tpu.matmul %convert_element_type3A_72, %slice3A, %dot_general3A_74 {dimension_numbers = #tpu.dot_dimension_numbers<[1], [0], [0], [1], [0, 0, 1, 1], [], []>, transpose_lhs_hint = false} : vector<256x256xf32>, vector<256x1xf32>, vector<256x1xf32> -> vector<256x1xf32>
    %add3A_76 = vector.broadcast %dot_general3A_75 : vector<256x1xf32> to vector<256x128xf32>
    %add3A_77 = arith.addf %dot_general3A_39, %add3A_76 : vector<256x128xf32>
    %dot_general3A_78 = arith.constant dense<0.000000e+00> : vector<256x1xf32>
    %dot_general3A_79 = tpu.matmul %convert_element_type3A_72, %slice3A_73, %dot_general3A_78 {dimension_numbers = #tpu.dot_dimension_numbers<[1], [0], [0], [1], [0, 0, 1, 1], [], []>, transpose_lhs_hint = false} : vector<256x256xf32>, vector<256x1xf32>, vector<256x1xf32> -> vector<256x1xf32>
    %add3A_80 = vector.broadcast %dot_general3A_79 : vector<256x1xf32> to vector<256x128xf32>
    %add3A_81 = arith.addf %dot_general3A_41, %add3A_80 : vector<256x128xf32>
    %convert_element_type3A_82 = arith.fptosi %add3A_77 : vector<256x128xf32> to vector<256x128xi32>
    %swap3A = arith.constant 0 : index
    %swap3A_83 = arith.constant 0 : index
    %swap3A_84 = vector.load %arg4[%swap3A, %swap3A_83] : memref<256x128xi32, #tpu.memory_space<vmem>>, vector<256x128xi32>
    tpu.vector_store %arg4[%swap3A, %swap3A_83], %convert_element_type3A_82 {strides = array<i32>} : memref<256x128xi32, #tpu.memory_space<vmem>>, vector<256x128xi32>,
    %convert_element_type3A_85 = arith.fptosi %convert_element_type3A_30 : vector<256x128xf32> to vector<256x128xi32>
    %swap3A_86 = arith.constant 0 : index
    %swap3A_87 = arith.constant 0 : index
    %swap3A_88 = vector.load %arg5[%swap3A_86, %swap3A_87] : memref<256x128xi32, #tpu.memory_space<vmem>>, vector<256x128xi32>
    tpu.vector_store %arg5[%swap3A_86, %swap3A_87], %convert_element_type3A_85 {strides = array<i32>} : memref<256x128xi32, #tpu.memory_space<vmem>>, vector<256x128xi32>,
    %convert_element_type3A_89 = arith.fptosi %add3A_81 : vector<256x128xf32> to vector<256x128xi32>
    %swap3A_90 = arith.constant 0 : index
    %swap3A_91 = arith.constant 0 : index
    %swap3A_92 = vector.load %arg6[%swap3A_90, %swap3A_91] : memref<256x128xi32, #tpu.memory_space<vmem>>, vector<256x128xi32>
    tpu.vector_store %arg6[%swap3A_90, %swap3A_91], %convert_element_type3A_89 {strides = array<i32>} : memref<256x128xi32, #tpu.memory_space<vmem>>, vector<256x128xi32>,
    %convert_element_type3A_93 = arith.fptosi %convert_element_type3A_35 : vector<256x128xf32> to vector<256x128xi32>
    %swap3A_94 = arith.constant 0 : index
    %swap3A_95 = arith.constant 0 : index
    %swap3A_96 = vector.load %arg7[%swap3A_94, %swap3A_95] : memref<256x128xi32, #tpu.memory_space<vmem>>, vector<256x128xi32>
    tpu.vector_store %arg7[%swap3A_94, %swap3A_95], %convert_element_type3A_93 {strides = array<i32>} : memref<256x128xi32, #tpu.memory_space<vmem>>, vector<256x128xi32>,
    %reduce_sum3A = vector.shape_cast %convert_element_type3A : vector<256x128xf32> to vector<1x256x128xf32>
    %reduce_sum3A_97 = arith.constant dense<0.000000e+00> : vector<1xf32>
    %reduce_sum3A_98 = vector.multi_reduction <add>, %reduce_sum3A, %reduce_sum3A_97 [1, 2] : vector<1x256x128xf32> to vector<1xf32>
    %reduce_sum3A_99 = vector.shape_cast %reduce_sum3A_98 : vector<1xf32> to vector<1x1x1xf32>
    %reduce_sum3A_100 = vector.extract %reduce_sum3A_99[0, 0, 0] : f32 from vector<1x1x1xf32>
    %max3A = arith.constant 1.000000e+00 : f32
    %max3A_101 = arith.maximumf %reduce_sum3A_100, %max3A : f32
    %reduce_sum3A_102 = vector.shape_cast %mul3A : vector<256x128xf32> to vector<1x256x128xf32>
    %reduce_sum3A_103 = arith.constant dense<0.000000e+00> : vector<1xf32>
    %reduce_sum3A_104 = vector.multi_reduction <add>, %reduce_sum3A_102, %reduce_sum3A_103 [1, 2] : vector<1x256x128xf32> to vector<1xf32>
    %reduce_sum3A_105 = vector.shape_cast %reduce_sum3A_104 : vector<1xf32> to vector<1x1x1xf32>
    %reduce_sum3A_106 = vector.extract %reduce_sum3A_105[0, 0, 0] : f32 from vector<1x1x1xf32>
    %div3A_107 = arith.divf %reduce_sum3A_106, %max3A_101 : f32
    %reduce_sum3A_108 = vector.shape_cast %mul3A_26 : vector<256x128xf32> to vector<1x256x128xf32>
    %reduce_sum3A_109 = arith.constant dense<0.000000e+00> : vector<1xf32>
    %reduce_sum3A_110 = vector.multi_reduction <add>, %reduce_sum3A_108, %reduce_sum3A_109 [1, 2] : vector<1x256x128xf32> to vector<1xf32>
    %reduce_sum3A_111 = vector.shape_cast %reduce_sum3A_110 : vector<1xf32> to vector<1x1x1xf32>
    %reduce_sum3A_112 = vector.extract %reduce_sum3A_111[0, 0, 0] : f32 from vector<1x1x1xf32>
    %div3A_113 = arith.divf %reduce_sum3A_112, %max3A_101 : f32
    %sub3A_114 = arith.constant 1.000000e-01 : f32
    %sub3A_115 = arith.subf %div3A_107, %sub3A_114 : f32
    %integer_pow3A = arith.mulf %sub3A_115, %sub3A_115 : f32
    %sub3A_116 = arith.constant 2.000000e-02 : f32
    %sub3A_117 = arith.subf %div3A_113, %sub3A_116 : f32
    %integer_pow3A_118 = arith.mulf %sub3A_117, %sub3A_117 : f32
    %add3A_119 = arith.addf %integer_pow3A, %integer_pow3A_118 : f32
    %swap3A_120 = arith.constant 0 : index
    %swap3A_121 = arith.constant 0 : index
    %swap3A_122 = memref.load %arg8[%swap3A_120, %swap3A_121] : memref<1x1xf32, #tpu.memory_space<smem>>
    memref.store %add3A_119, %arg8[%swap3A_120, %swap3A_121] : memref<1x1xf32, #tpu.memory_space<smem>>
    return
  }
}

module attributes {stable_mosaic.version = 14 : i64} {
  func.func @_tc_logits_body(%arg0: i32, %arg1: memref<4096x768xf32, #tpu.memory_space<vmem>>, %arg2: memref<768x2xf32, #tpu.memory_space<vmem>>, %arg3: memref<4096x1xf32, #tpu.memory_space<vmem>>, %arg4: memref<4096x1xf32, #tpu.memory_space<vmem>>) attributes {dimension_semantics = [#tpu.dimension_semantics<arbitrary>], iteration_bounds = array<i64: 8>, scalar_prefetch = 0 : i64, scratch_operands = 0 : i64, tpu.core_type = #tpu.core_type<tc>, window_params = [{transform_indices = @transform_0, window_bounds = array<i64: 4096, 768>}, {pipeline_mode = #tpu.pipeline_mode<synchronous>, transform_indices = @transform_1, window_bounds = array<i64: 768, 2>}, {transform_indices = @transform_2, window_bounds = array<i64: 4096, 1>}, {transform_indices = @transform_3, window_bounds = array<i64: 4096, 1>}]} {
    %get3A = arith.constant 0 : index
    %get3A_0 = arith.constant 0 : index
    %get3A_1 = vector.load %arg1[%get3A, %get3A_0] : memref<4096x768xf32, #tpu.memory_space<vmem>>, vector<4096x768xf32>
    %get3A_2 = arith.constant 0 : index
    %get3A_3 = arith.constant 0 : index
    %get3A_4 = vector.load %arg2[%get3A_2, %get3A_3] : memref<768x2xf32, #tpu.memory_space<vmem>>, vector<768x2xf32>
    %dot_general3A = arith.constant dense<0.000000e+00> : vector<4096x2xf32>
    %dot_general3A_5 = tpu.matmul %get3A_1, %get3A_4, %dot_general3A {dimension_numbers = #tpu.dot_dimension_numbers<[1], [0], [0], [1], [0, 0, 1, 1], [], []>, transpose_lhs_hint = false} : vector<4096x768xf32>, vector<768x2xf32>, vector<4096x2xf32> -> vector<4096x2xf32>
    %slice3A = vector.extract_strided_slice %dot_general3A_5 {offsets = [0, 0], sizes = [4096, 1], strides = [1, 1]} : vector<4096x2xf32> to vector<4096x1xf32>
    %swap3A = arith.constant 0 : index
    %swap3A_6 = arith.constant 0 : index
    %swap3A_7 = vector.load %arg3[%swap3A, %swap3A_6] : memref<4096x1xf32, #tpu.memory_space<vmem>>, vector<4096x1xf32>
    tpu.vector_store %arg3[%swap3A, %swap3A_6], %slice3A {strides = array<i32>} : memref<4096x1xf32, #tpu.memory_space<vmem>>, vector<4096x1xf32>,
    %slice3A_8 = vector.extract_strided_slice %dot_general3A_5 {offsets = [0, 1], sizes = [4096, 1], strides = [1, 1]} : vector<4096x2xf32> to vector<4096x1xf32>
    %swap3A_9 = arith.constant 0 : index
    %swap3A_10 = arith.constant 0 : index
    %swap3A_11 = vector.load %arg4[%swap3A_9, %swap3A_10] : memref<4096x1xf32, #tpu.memory_space<vmem>>, vector<4096x1xf32>
    tpu.vector_store %arg4[%swap3A_9, %swap3A_10], %slice3A_8 {strides = array<i32>} : memref<4096x1xf32, #tpu.memory_space<vmem>>, vector<4096x1xf32>,
    return
  }
  func.func @transform_0(%arg0: i32) -> (i32, i32) {
    %c0_i32 = arith.constant 0 : i32
    %c0_i32_0 = arith.constant 0 : i32
    return %arg0, %c0_i32 : i32, i32
  }
  func.func @transform_1(%arg0: i32) -> (i32, i32) {
    %c0_i32 = arith.constant 0 : i32
    %c0_i32_0 = arith.constant 0 : i32
    %c0_i32_1 = arith.constant 0 : i32
    return %c0_i32, %c0_i32_0 : i32, i32
  }
  func.func @transform_2(%arg0: i32) -> (i32, i32) {
    %c0_i32 = arith.constant 0 : i32
    %c0_i32_0 = arith.constant 0 : i32
    return %arg0, %c0_i32 : i32, i32
  }
  func.func @transform_3(%arg0: i32) -> (i32, i32) {
    %c0_i32 = arith.constant 0 : i32
    %c0_i32_0 = arith.constant 0 : i32
    return %arg0, %c0_i32 : i32, i32
  }
}

</mosaic_0001>

<sc_bundles>
// kernel: kernel.5.cloned.1.call-start
scs
__scs_entry_jumppad:
0x0: {  	(pc) =	sbr.rel $0x88, $3  }
0x1: {  	(tag) =	ssettag $0x0;
	lr =	simm.s32 $0x1  }
0x2: {  	[smem:$0x3F9A] =	sst lr;
	_ =	strace $0xD0000000  }
0x3: {  	_ = 	snop  }
0x4: {  	_ = 	snop  }
0x5: {  	_ = 	snop  }
0x6: {  	_ = 	snop  }
0x7: {  	_ = 	snop  }
__scs_overlays_trampoline_lowered:
0x8: {  	[smem:$0x3FA9] =	sst s0  }
0x9: {  	[smem:$0x3FAA] =	sst s1  }
0xa: {  	[smem:$0x3FAB] =	sst s2  }
0xb: {  	[smem:$0x3FAC] =	sst s3  }
0xc: {  	[smem:$0x3FAD] =	sst s4  }
0xd: {  	[smem:$0x3FAE] =	sst s5  }
0xe: {  	[smem:$0x3FAF] =	sst s6  }
0xf: {  	[smem:$0x3FB0] =	sst s7  }
0x10: {  	[smem:$0x3FB1] =	sst s8  }
0x11: {  	[smem:$0x3FB2] =	sst s9;
	s0 =	simm.s32 @!p0 $0x0  }
0x12: {  	s1 =	sld [smem:$0x3F98];
	s0 =	simm.s32 @p0 $0x1  }
0x13: {  	[smem:$0x3FB3] =	sst s0;
	s0 =	simm.s32 @!p1 $0x0  }
0x14: {  	s2 =	sld [smem:$0x3F97];
	s0 =	simm.s32 @p1 $0x1  }
0x15: {  	[smem:$0x3FB4] =	sst s0;
	s0 =	simm.s32 @!p2 $0x0  }
0x16: {  	s3 =	sld [smem:$0x3FDB];
	s0 =	simm.s32 @p2 $0x1  }
0x17: {  	s4 =	simm.s32 $0x1BF5;
	[smem:$0x3FB6] =	sst s0  }
0x18: {  	s0 =	sld [smem:$0x3F99];
	_ =	swait.ge [sflag:s4], $0x0  }
0x19: {  	s7 =	sld [smem:$0x3F9A]  }
0x1a: {  	s8 =	sadd.s32 $0xFFFFE003, lr  }
0x1b: {  	s9 =	sadd.s32 $0xFFFFFEF7, lr;
	s5 =	simm.s32 $0xFFFFFFFF;
	p2 =	slt.u32 s8, $0xFFFFF086  }
0x1c: {  	p1 =	slt.u32 s9, $0xF7A;
	s5 =	simm.s32 @!p2 $0x0  }
0x1d: {  	s5 =	simm.s32 @p1 $0x1;
	p0 =	seq.s32 s7, s2  }
0x1e: {  	s7 =	smul.u32 @!p0 $0xF7A, s2;
	p2 =	seq.s32 @!p0 s5, $0x0  }
0x1f: {  	s9 =	smul.u32 $0xF7A, s1;
	s8 =	simm.s32 @!p0 $0x1BF5;
	p2 =	por !p2, p0  }
0x20: {  	[sflag:s8] =	ssyncset.s32 @!p0 $0xFFFFF086;
	s6 =	sadd.s32 @!p0 s3, s7;
	s7 =	simm.s32 @!p0 $0x108  }
0x21: {  	s3 =	sadd.s32 s3, s9;
	s6 =	sadd.s32 @!p0 $0x88, s6;
	s7 =	simm.s32 @p2 $0x1082  }
0x22: {  	[simem:s7], [sflag:s8] =	dma.local @!p0 [hbm:s6], $0xF7A  }
0x23: {  	s9 =	sor.u32 $0xD0000000, s2;
	s6 =	simm.s32 $0x108;
	_ =	swait.ge @!p0 [sflag:s8], $0x0  }
0x24: {  	s3 =	sadd.s32 $0x88, s3;
	s6 =	simm.s32 @!p1 $0x1082;
	[sflag:s4] =	ssyncset.s32 $0xFFFFF086  }
0x25: {  	[simem:s6], [sflag:s4] =	dma.local [hbm:s3], $0xF7A  }
0x26: {  	[smem:$0x3F9A] =	sst s1;
	(tag) =	ssettag s2;
	_ =	strace s9  }
0x27: {  	s1 =	sld [smem:$0x3FAA]  }
0x28: {  	s2 =	sld [smem:$0x3FAB]  }
0x29: {  	s4 =	sld [smem:$0x3FAD]  }
0x2a: {  	p0 =	seq.s32 s5, $0x0;
	s5 =	sld [smem:$0x3FAE]  }
0x2b: {  	s6 =	sld [smem:$0x3FAF]  }
0x2c: {  	s7 =	sld [smem:$0x3FB0]  }
0x2d: {  	s3 =	simm.s32 $0x108;
	s8 =	sld [smem:$0x3FB1]  }
0x2e: {  	s3 =	simm.s32 @!p0 $0x1082;
	s9 =	sld [smem:$0x3FB2]  }
0x2f: {  	lr =	sadd.s32 s0, s3;
	s0 =	sld [smem:$0x3FA9]  }
0x30: {  	s3 =	sld [smem:$0x3FAC]  }
0x31: {  	[smem:$0x3FB5] =	sst s10  }
0x32: {  	s10 =	sld [smem:$0x3FB3];
	_ =	sdelay $0x3  }
0x33: {  	p0 =	seq.s32 s10, $0x1;
	s10 =	sld [smem:$0x3FB5];
	_ =	sdelay $0x3  }
0x34: {  	[smem:$0x3FB5] =	sst s10  }
0x35: {  	s10 =	sld [smem:$0x3FB4];
	_ =	sdelay $0x3  }
0x36: {  	p1 =	seq.s32 s10, $0x1;
	s10 =	sld [smem:$0x3FB5];
	_ =	sdelay $0x3  }
0x37: {  	[smem:$0x3FB5] =	sst s10  }
0x38: {  	s10 =	sld [smem:$0x3FB6]  }
0x39: {  	_ = 	snop;
	(pc) =	sbr.ind lr, $3  }
0x3a: {  	_ = 	snop  }
0x3b: {  	_ = 	snop  }
0x3c: {  	p2 =	seq.s32 s10, $0x1;
	s10 =	sld [smem:$0x3FB5]  }
0x3d: {  	_ =	shalt  }
0x3e: {  	_ =	shalt  }
0x3f: {  	_ =	shalt  }
0x40: {  	_ =	shalt  }
0x41: {  	_ =	shalt  }
0x42: {  	_ =	shalt  }
0x43: {  	_ =	shalt  }
0x44: {  	_ =	shalt  }
0x45: {  	_ =	shalt  }
0x46: {  	_ =	shalt  }
0x47: {  	_ =	shalt  }
0x48: {  	_ =	shalt  }
0x49: {  	_ =	shalt  }
0x4a: {  	_ =	shalt  }
0x4b: {  	_ =	shalt  }
0x4c: {  	_ =	shalt  }
0x4d: {  	_ =	shalt  }
0x4e: {  	_ =	shalt  }
0x4f: {  	_ =	shalt  }
0x50: {  	_ =	shalt  }
0x51: {  	_ =	shalt  }
0x52: {  	_ =	shalt  }
0x53: {  	_ =	shalt  }
0x54: {  	_ =	shalt  }
0x55: {  	_ =	shalt  }
0x56: {  	_ =	shalt  }
0x57: {  	_ =	shalt  }
0x58: {  	_ =	shalt  }
0x59: {  	_ =	shalt  }
0x5a: {  	_ =	shalt  }
0x5b: {  	_ =	shalt  }
0x5c: {  	_ =	shalt  }
0x5d: {  	_ =	shalt  }
0x5e: {  	_ =	shalt  }
0x5f: {  	_ =	shalt  }
0x60: {  	_ =	shalt  }
0x61: {  	_ =	shalt  }
0x62: {  	_ =	shalt  }
0x63: {  	_ =	shalt  }
0x64: {  	_ =	shalt  }
0x65: {  	_ =	shalt  }
0x66: {  	_ =	shalt  }
0x67: {  	_ =	shalt  }
0x68: {  	_ =	shalt  }
0x69: {  	_ =	shalt  }
0x6a: {  	_ =	shalt  }
0x6b: {  	_ =	shalt  }
0x6c: {  	_ =	shalt  }
0x6d: {  	_ =	shalt  }
0x6e: {  	_ =	shalt  }
0x6f: {  	_ =	shalt  }
0x70: {  	_ =	shalt  }
0x71: {  	_ =	shalt  }
0x72: {  	_ =	shalt  }
0x73: {  	_ =	shalt  }
0x74: {  	_ =	shalt  }
0x75: {  	_ =	shalt  }
0x76: {  	_ =	shalt  }
0x77: {  	_ =	shalt  }
0x78: {  	_ =	shalt  }
0x79: {  	_ =	shalt  }
0x7a: {  	_ =	shalt  }
0x7b: {  	_ =	shalt  }
0x7c: {  	_ =	shalt  }
0x7d: {  	_ =	shalt  }
0x7e: {  	_ =	shalt  }
0x7f: {  	_ =	shalt  }
0x80: {  	_ =	shalt  }
0x81: {  	_ =	shalt  }
0x82: {  	_ =	shalt  }
0x83: {  	_ =	shalt  }
0x84: {  	_ =	shalt  }
0x85: {  	_ =	shalt  }
0x86: {  	_ =	shalt  }
0x87: {  	_ =	shalt  }
.Lfunc_end0:
.L_simem_size_0:
called_computation_lowered:
.L_overlay_start_0:
0x88: {  	s2 =	sld [smem:$0x3FD9]  }
0x89: {  	s3 =	sld [smem:$0x3FFE];
	_ =	sdelay $0x1  }
0x8a: {  	s1 =	srdreg.scid  }
0x8b: {  	s0 =	sand.u32 $0x1, s1  }
0x8c: {  	s15 =	sshll.u32 s0, $0xA;
	s2 =	sadd.s32 s3, s2  }
0x8d: {  	s2 =	sadd.s32 s2, s15  }
0x8e: {  	[smem:$0x3FC1] =	sst s2  }
0x8f: {  	_ = 	snop  }
0x90: {  	s2 =	sld [smem:$0x3FD0];
	_ =	sdelay $0x2  }
0x91: {  	s4 =	simm.s32 $0xA;
	s5 =	simm.s32 $0x10;
	s16 =	sld [smem:$0x3FC7]  }
0x92: {  	[smem:s5], [sflag:s4] =	dma.local [hbm:s2], $0x1  }
0x93: {  	_ =	swait.eq [sflag:s4], $0x1  }
0x94: {  	[sflag:s4] =	ssyncset.done $0x0  }
0x95: {  	s17 =	sld [smem:$0x10];
	[sflag:s4] =	ssyncadd.s32 $0xFFFFFFFF  }
0x96: {  	s18 =	sld [smem:$0x13];
	(tm) =	ssettm $0x1  }
0x97: {  	s19 =	sld [smem:$0x3FFB];
	_ =	sdelay $0x3  }
0x98: {  	_ =	strace s19  }
0x99: {  	s5 =	sld [smem:$0x3FFC];
	_ =	sdelay $0x3  }
0x9a: {  	_ =	strace s5  }
0x9b: {  	s5 =	sld [smem:$0x3FFD];
	_ =	sdelay $0x3  }
0x9c: {  	_ =	strace s5  }
0x9d: {  	_ =	strace $0x8FFFFFFF  }
0x9e: {  	s20 =	sld [smem:$0x3FDB];
	_ =	sdelay $0x1  }
0x9f: {  	s6 =	simm.s32 $_scs_section_size  }
0xa0: {  	s7 =	simm.s32 $_size__tile_overlayer_lowered;
	s8 =	simm.s32 $_tile_overlayer_lowered  }
0xa1: {  	s23 =	simm.s32 $0x1BFF;
	s22 =	sshll.u32 s8, $0x1;
	s5 =	sadd.s32 s6, s20  }
0xa2: {  	s9 =	simm.s32 $0x0;
	s21 =	sshll.u32 s7, $0x1;
	s7 =	sadd.s32 s22, s5  }
0xa3: {  	[timem:s9], [sflag:s23] =	dma.local [hbm:s7], s21  }
0xa4: {  	_ =	swait.ge [sflag:s23], s21  }
0xa5: {  	s6 =	ssub.s32 $0x0, s21;
	[sflag:s23] =	ssyncset.done $0x0  }
0xa6: {  	[sflag:s23] =	ssyncadd.s32 s6;
	_ =	sdelay $0x1  }
0xa7: {  	s24 =	simm.s32 $0x1B8B  }
0xa8: {  	_ =	swait.ge [sflag:s24], $0x1  }
0xa9: {  	[sflag:s24] =	ssyncset.done $0x0  }
0xaa: {  	s25 =	simm.s32 $0x1B8E;
	[sflag:s24] =	ssyncadd.s32 $0xFFFFFFFF  }
0xab: {  	s26 =	simm.s32 $execute0_lowered;
	[smem:$0x3FD2] =	sst s25  }
0xac: {  	s6 =	sshll.u32 s26, $0x1;
	_ =	strace $0x80000046;
	[dreg:$0x1] =	wrdreg $0xFFFFFFFF  }
0xad: {  	s28 =	simm.s32 $_size_execute0_lowered;
	s5 =	sadd.s32 s5, s6;
	[dreg:$0x0] =	wrdreg $0x0  }
0xae: {  	s6 =	sshll.u32 s28, $0x1;
	[dreg:$0x2] =	wrdreg s5  }
0xaf: {  	[dreg:$0x3] =	wrdreg s6  }
0xb0: {  	[dreg:$0x4] =	wrdreg $0xC0  }
0xb1: {  	_ =	task [dreg:s9], $0x5FFFF  }
0xb2: {  	[dreg:$0x1] =	wrdreg $0xFFFFFFFF  }
0xb3: {  	[dreg:$0x0] =	wrdreg $0x60  }
0xb4: {  	[dreg:$0x2] =	wrdreg s16  }
0xb5: {  	[dreg:$0x3] =	wrdreg s18  }
0xb6: {  	[dreg:$0x4] =	wrdreg s17  }
0xb7: {  	[dreg:$0x5] =	wrdreg $0x9  }
0xb8: {  	_ =	task.clear_ibuf [dreg:s9], $0x6FFFF;
	_ =	strace $0x90000046  }
0xb9: {  	s29 =	simm.s32 $0x9;
	_ =	strace $0x80000048  }
0xba: {  	_ =	swait.ge [sflag:s29], $0x1  }
0xbb: {  	[sflag:s29] =	ssyncadd.s32 $0xFFFFFFFF  }
0xbc: {  	_ =	strace $0x90000048  }
0xbd: {  	_ =	sfence  }
0xbe: {  	s30 =	sld [smem:$0x0];
	_ =	sdelay $0x2  }
0xbf: {  	s31 =	sshll.u32 s1, $0xD;
	s1 =	sshrl.u32 s1, $0x2  }
0xc0: {  	s3 =	sand.u32 $0x4000, s31;
	s1 =	sadd.s32 s1, s30  }
0xc1: {  	s0 =	sor.u32 s3, s0;
	s1 =	sshll.u32 s1, $0x11  }
0xc2: {  	s0 =	sor.u32 s1, s0  }
0xc3: {  	s0 =	sadd.s32 $0x8F2B, s0  }
0xc4: {  	[sflag:s0] =	ssyncadd.remote.s32 $0x1  }
0xc5: {  	_ =	sfence.sel $0xFFFF  }
0xc6: {  	[dreg:$0x0] =	wrdreg $0xFFFFFFFF;
	(pc) =	sbr.abs _section_cstart, $3  }
0xc7: {  	[dreg:$0x1] =	wrdreg $0xFFFFFFFF  }
0xc8: {  	_ =	task.clear_ibuf [dreg:s9], $0x2FFFF;
	_ =	strace $0x9FFFFFFF  }
0xc9: {  	(tm) =	ssettm $0x7FFFFFFF  }
tec
execute0_lowered:
.L_overlay_start_1:
0x0: {  	(tag) =	ssettag $0x1  }
0x1: {  	s1 =	rddreg [dreg:$0x0]  }
0x2: {  	s0 =	rddreg [dreg:$0x1]  }
0x3: {  	s2 =	rddreg [dreg:$0x2]  }
0x4: {  	s3 =	srdreg.scid;
	s5 =	stileid.u32;
	s16 =	simm.s32 $0x1  }
0x5: {  	s17 =	simm.s32 $0xC400;
	s28 =	simm.s32 $0x12400;
	s29 =	simm.s32 $0x12C00  }
0x6: {  	s30 =	simm.s32 $0x13400;
	s31 =	simm.s32 $0x13C00;
	s13 =	simm.s32 $0x15400  }
0x7: {  	s14 =	simm.s32 $0x15C00;
	s15 =	simm.s32 $0x16400;
	s18 =	simm.s32 $0x16C00  }
0x8: {  	s19 =	simm.s32 $0x17400;
	s20 =	simm.s32 $0x17C00;
	s21 =	simm.s32 $0x3  }
0x9: {  	s22 =	simm.s32 $0x5;
	s23 =	simm.s32 $0x4;
	s12 =	simm.s32 $0x0  }
0xa: {  	s4 =	sand.u32 $0x1, s3;
	s3 =	simm.s32 $0x0;
	s5 =	sshll.u32 s5, $0xB  }
0xb: {  	s6 =	sshll.u32 s4, $0xA;
	[smem:$0x7FF] =	sst s3;
	s4 =	ssub.s32 $0x2, s4  }
0xc: {  	s5 =	sor.u32 s6, s5;
	_ =	strace $0x80000047;
	s8 =	sshrl.u32 s4, $0x1  }
0xd: {  	s6 =	sor.u32 $0x40, s5;
	s7 =	sor.u32 $0x60, s5;
	s25 =	sshrl.u32 s5, $0x3  }
0xe: {  	s4 =	ssub.s32 s4, s8;
	s6 =	sshrl.u32 s6, $0x3;
	s26 =	smul.u32 $0x300, s25  }
0xf: {  	s5 =	sadd.s32 $0x100, s1;
	s24 =	sshrl.u32 s7, $0x3;
	s9 =	smul.u32 $0x300, s6  }
.Ltmp0:
0x10: {  	s0 =	sadd.s32 s0, s25;
	s4 =	smax.u32 s4, $0x1;
	(pc) =	sbr.rel .LBB2_1-.Ltmp0, $4  }
0x11: {  	s10 =	smul.u32 $0x300, s24;
	[dreg:$0x4] =	wrdreg s0;
	s6 =	sadd.s32 $0x200, s1  }
0x12: {  	v2 =	vlaneseq.u32;
	[dreg:$0x5] =	wrdreg s4;
	s24 =	simm.s32 $0x6400;
	s0 =	simm.s32 $0x14400  }
0x13: {  	vm0 =	vmmov $0xffff;
	v1 =	vshrl.u32 v2, $0x3;
	s4 =	simm.s32 $0x6;
	s8 =	sadd.s32 s9, s2;
	s9 =	sadd.s32 s10, s2  }
0x14: {  	v0 =	vand.u32 $0x7, v2;
	v2 =	vor.u32 $0x8, v2;
	v1 =	vmul.u32 $0x8, v1;
	s10 =	sadd.s32 s26, s2;
	s26 =	simm.s32 $0x2;
	s2 =	simm.s32 $0x14C00  }
.LBB2_4:
0x15: {  	s7 =	simm.s32 $0x7  }
0x16: {  	_ =	swait.ge [sflag:s7], $0x6000  }
0x17: {  	[sflag:s7] =	ssyncset.done $0x0  }
0x18: {  	s11 =	simm.s32 $0x8;
	[sflag:s7] =	ssyncadd.s32 $0xFFFFA000  }
0x19: {  	_ =	swait.ge [sflag:s11], $0x6000  }
0x1a: {  	s12 =	rddreg [dreg:$0x6]  }
0x1b: {  	s25 =	rddreg [dreg:$0x5];
	s12 =	sadd.s32 $0x1, s12  }
0x1c: {  	p0 =	sne.s32 s12, s25  }
.Ltmp1:
0x1d: {  	_ = 	snop;
	(pc) =	sbr.rel @!p0 .LBB2_5-.Ltmp1, $3  }
0x1e: {  	_ =	sdelay $0x1  }
0x1f: {  	[sflag:s11] =	ssyncset.done $0x0  }
0x20: {  	[sflag:s11] =	ssyncadd.s32 $0xFFFFA000  }
.LBB2_1:
0x21: {  	[dreg:$0x6] =	wrdreg s12  }
0x22: {  	s7 =	rddreg [dreg:$0x4];
	s11 =	simm.s32 $0x9  }
0x23: {  	[tilespmem:s3], [sflag:$0x9] =	stream.linear.gather [hbm4b:s7+s3], $0x400, $0x38;
	[tilespmem:$0x18400] =	vst v63  }
0x24: {  	_ =	swait.ge [sflag:s11], $0x400  }
0x25: {  	[sflag:s11] =	ssyncset.done $0x0  }
0x26: {  	[sflag:s11] =	ssyncadd.s32 $0xFFFFFC00  }
0x27: {  	v3 =	vld [tilespmem:$0x0];
	_ =	sdelay $0x4  }
0x28: {  	v4 =	vshrl.u32 v3, $0x3  }
0x29: {  	v4 =	vmul.u32 $0x30, v4  }
0x2a: {  	v3 =	vand.u32 $0x7, v3  }
0x2b: {  	v3 =	vor.u32 v3, v4  }
0x2c: {  	v4 =	vperm.xlane v3, v0;
	_ =	sdelay $0x1  }
0x2d: {  	v4 =	vadd.s32 v1, v4;
	_ =	sdelay $0x3  }
0x2e: {  	s12 =	simm.s32 $0x400;
	v3 =	vperm.xlane v3, v2  }
0x2f: {  	[tilespmem:s12], [sflag:$0x1] =	stream.indirect_vreg.gather [hbm4b:s1+s3], $0x80, v4, vm0, $0xb8;
	[tilespmem:$0x18400] =	vst v63  }
0x30: {  	s25 =	simm.s32 $0xC00;
	v3 =	vadd.s32 v1, v3  }
0x31: {  	[tilespmem:s25], [sflag:$0x1] =	stream.indirect_vreg.gather [hbm4b:s5+s3], $0x80, v4, vm0, $0xb8;
	[tilespmem:$0x18400] =	vst v63  }
0x32: {  	s11 =	simm.s32 $0x1400  }
0x33: {  	[tilespmem:s11], [sflag:$0x1] =	stream.indirect_vreg.gather [hbm4b:s6+s3], $0x80, v4, vm0, $0xb8;
	[tilespmem:$0x18400] =	vst v63  }
0x34: {  	s12 =	simm.s32 $0x1C00  }
0x35: {  	[tilespmem:s12], [sflag:$0x1] =	stream.indirect_vreg.gather [hbm4b:s1+s3], $0x80, v3, vm0, $0xb8;
	[tilespmem:$0x18400] =	vst v63  }
0x36: {  	s25 =	simm.s32 $0x2400  }
0x37: {  	[tilespmem:s25], [sflag:$0x1] =	stream.indirect_vreg.gather [hbm4b:s5+s3], $0x80, v3, vm0, $0xb8;
	[tilespmem:$0x18400] =	vst v63  }
0x38: {  	s11 =	simm.s32 $0x2C00  }
0x39: {  	[tilespmem:s11], [sflag:$0x1] =	stream.indirect_vreg.gather [hbm4b:s6+s3], $0x80, v3, vm0, $0xb8;
	[tilespmem:$0x18400] =	vst v63  }
0x3a: {  	v3 =	vld [tilespmem:$0x10];
	_ =	sdelay $0x4  }
0x3b: {  	v61 =	vshrl.u32 v3, $0x3  }
0x3c: {  	v4 =	vmul.u32 $0x30, v61  }
0x3d: {  	v3 =	vand.u32 $0x7, v3  }
0x3e: {  	v3 =	vor.u32 v3, v4  }
0x3f: {  	v4 =	vperm.xlane v3, v0;
	_ =	sdelay $0x1  }
0x40: {  	v4 =	vadd.s32 v1, v4;
	_ =	sdelay $0x3  }
0x41: {  	s12 =	simm.s32 $0x3400;
	v3 =	vperm.xlane v3, v2  }
0x42: {  	[tilespmem:s12], [sflag:$0x1] =	stream.indirect_vreg.gather [hbm4b:s1+s3], $0x80, v4, vm0, $0xb8;
	[tilespmem:$0x18400] =	vst v63  }
0x43: {  	s25 =	simm.s32 $0x3C00;
	v3 =	vadd.s32 v1, v3  }
0x44: {  	[tilespmem:s25], [sflag:$0x1] =	stream.indirect_vreg.gather [hbm4b:s5+s3], $0x80, v4, vm0, $0xb8;
	[tilespmem:$0x18400] =	vst v63  }
0x45: {  	s11 =	simm.s32 $0x4400  }
0x46: {  	[tilespmem:s11], [sflag:$0x1] =	stream.indirect_vreg.gather [hbm4b:s6+s3], $0x80, v4, vm0, $0xb8;
	[tilespmem:$0x18400] =	vst v63  }
0x47: {  	s12 =	simm.s32 $0x4C00  }
0x48: {  	[tilespmem:s12], [sflag:$0x1] =	stream.indirect_vreg.gather [hbm4b:s1+s3], $0x80, v3, vm0, $0xb8;
	[tilespmem:$0x18400] =	vst v63  }
0x49: {  	s25 =	simm.s32 $0x5400  }
0x4a: {  	[tilespmem:s25], [sflag:$0x1] =	stream.indirect_vreg.gather [hbm4b:s5+s3], $0x80, v3, vm0, $0xb8;
	[tilespmem:$0x18400] =	vst v63  }
0x4b: {  	s11 =	simm.s32 $0x5C00  }
0x4c: {  	[tilespmem:s11], [sflag:$0x1] =	stream.indirect_vreg.gather [hbm4b:s6+s3], $0x80, v3, vm0, $0xb8;
	[tilespmem:$0x18400] =	vst v63  }
0x4d: {  	v3 =	vld [tilespmem:$0x20];
	_ =	sdelay $0x4  }
0x4e: {  	v62 =	vshrl.u32 v3, $0x3  }
0x4f: {  	v4 =	vmul.u32 $0x30, v62  }
0x50: {  	v3 =	vand.u32 $0x7, v3  }
0x51: {  	v3 =	vor.u32 v3, v4  }
0x52: {  	v4 =	vperm.xlane v3, v0;
	_ =	sdelay $0x1  }
0x53: {  	v4 =	vadd.s32 v1, v4;
	_ =	sdelay $0x3  }
0x54: {  	v3 =	vperm.xlane v3, v2  }
0x55: {  	[tilespmem:s24], [sflag:$0x2] =	stream.indirect_vreg.gather [hbm4b:s1+s3], $0x80, v4, vm0, $0xb8;
	[tilespmem:$0x18400] =	vst v63  }
0x56: {  	s12 =	simm.s32 $0x6C00;
	v3 =	vadd.s32 v1, v3  }
0x57: {  	[tilespmem:s12], [sflag:$0x2] =	stream.indirect_vreg.gather [hbm4b:s5+s3], $0x80, v4, vm0, $0xb8;
	[tilespmem:$0x18400] =	vst v63  }
0x58: {  	s25 =	simm.s32 $0x7400  }
0x59: {  	[tilespmem:s25], [sflag:$0x2] =	stream.indirect_vreg.gather [hbm4b:s6+s3], $0x80, v4, vm0, $0xb8;
	[tilespmem:$0x18400] =	vst v63  }
0x5a: {  	s11 =	simm.s32 $0x7C00  }
0x5b: {  	[tilespmem:s11], [sflag:$0x2] =	stream.indirect_vreg.gather [hbm4b:s1+s3], $0x80, v3, vm0, $0xb8;
	[tilespmem:$0x18400] =	vst v63  }
0x5c: {  	s12 =	simm.s32 $0x8400  }
0x5d: {  	[tilespmem:s12], [sflag:$0x2] =	stream.indirect_vreg.gather [hbm4b:s5+s3], $0x80, v3, vm0, $0xb8;
	[tilespmem:$0x18400] =	vst v63  }
0x5e: {  	s25 =	simm.s32 $0x8C00  }
0x5f: {  	[tilespmem:s25], [sflag:$0x2] =	stream.indirect_vreg.gather [hbm4b:s6+s3], $0x80, v3, vm0, $0xb8;
	[tilespmem:$0x18400] =	vst v63  }
0x60: {  	v3 =	vld [tilespmem:$0x30];
	_ =	sdelay $0x4  }
0x61: {  	v63 =	vshrl.u32 v3, $0x3  }
0x62: {  	v4 =	vmul.u32 $0x30, v63  }
0x63: {  	v3 =	vand.u32 $0x7, v3  }
0x64: {  	v3 =	vor.u32 v3, v4  }
0x65: {  	v4 =	vperm.xlane v3, v0;
	_ =	sdelay $0x1  }
0x66: {  	v4 =	vadd.s32 v1, v4;
	_ =	sdelay $0x3  }
0x67: {  	s11 =	simm.s32 $0x9400;
	v3 =	vperm.xlane v3, v2  }
0x68: {  	[tilespmem:s11], [sflag:$0x2] =	stream.indirect_vreg.gather [hbm4b:s1+s3], $0x80, v4, vm0, $0xb8;
	[tilespmem:$0x18400] =	vst v63  }
0x69: {  	s12 =	simm.s32 $0x9C00;
	v3 =	vadd.s32 v1, v3  }
0x6a: {  	[tilespmem:s12], [sflag:$0x2] =	stream.indirect_vreg.gather [hbm4b:s5+s3], $0x80, v4, vm0, $0xb8;
	[tilespmem:$0x18400] =	vst v63  }
0x6b: {  	s25 =	simm.s32 $0xA400  }
0x6c: {  	[tilespmem:s25], [sflag:$0x2] =	stream.indirect_vreg.gather [hbm4b:s6+s3], $0x80, v4, vm0, $0xb8;
	[tilespmem:$0x18400] =	vst v63  }
0x6d: {  	s11 =	simm.s32 $0xAC00  }
0x6e: {  	[tilespmem:s11], [sflag:$0x2] =	stream.indirect_vreg.gather [hbm4b:s1+s3], $0x80, v3, vm0, $0xb8;
	[tilespmem:$0x18400] =	vst v63  }
0x6f: {  	s12 =	simm.s32 $0xB400  }
0x70: {  	[tilespmem:s12], [sflag:$0x2] =	stream.indirect_vreg.gather [hbm4b:s5+s3], $0x80, v3, vm0, $0xb8;
	[tilespmem:$0x18400] =	vst v63  }
0x71: {  	s7 =	simm.s32 $0x60;
	s25 =	simm.s32 $0xBC00;
	s11 =	simm.s32 $0x0  }
0x72: {  	[tilespmem:s25], [sflag:$0x2] =	stream.indirect_vreg.gather [hbm4b:s6+s3], $0x80, v3, vm0, $0xb8;
	[tilespmem:$0x18400] =	vst v63  }
.LBB2_2:
0x73: {  	_ =	swait.ge [sflag:s16], $0x6000  }
0x74: {  	s12 =	sadd.s32 s11, s10;
	[sflag:s16] =	ssyncset.done $0x0  }
0x75: {  	s25 =	simm.s32 $0x400;
	p0 =	seq.s32 s11, $0x0;
	[sflag:s16] =	ssyncadd.s32 $0xFFFFA000  }
0x76: {  	[hbm4b:s12+s3] =	stream.linear.scatter [tilespmem:s25], [sflag:$0x5], $0x6000, $0x38;
	[tilespmem:$0x18400] =	vst v63  }
0x77: {  	s25 =	simm.s32 @!p0 $0x7  }
0x78: {  	_ =	swait.ge @!p0 [sflag:s25], $0x6000  }
0x79: {  	[sflag:s25] =	ssyncset.done @!p0 $0x0  }
0x7a: {  	[sflag:s25] =	ssyncadd.s32 @!p0 $0xFFFFA000  }
0x7b: {  	v3 =	vld [tilespmem:s7+$0xFFFFFFE0];
	_ =	sdelay $0x4  }
0x7c: {  	v4 =	vshrl.u32 v3, $0x3  }
0x7d: {  	v4 =	vmul.u32 $0x30, v4  }
0x7e: {  	v3 =	vand.u32 $0x7, v3  }
0x7f: {  	v3 =	vor.u32 v3, v4  }
0x80: {  	v4 =	vperm.xlane v3, v0;
	_ =	sdelay $0x1  }
0x81: {  	v4 =	vadd.s32 v1, v4;
	_ =	sdelay $0x3  }
0x82: {  	v3 =	vperm.xlane v3, v2  }
0x83: {  	[tilespmem:s17], [sflag:$0x3] =	stream.indirect_vreg.gather [hbm4b:s1+s3], $0x80, v4, vm0, $0xb8;
	[tilespmem:$0x18400] =	vst v63  }
0x84: {  	s25 =	simm.s32 $0xCC00;
	v3 =	vadd.s32 v1, v3  }
0x85: {  	[tilespmem:s25], [sflag:$0x3] =	stream.indirect_vreg.gather [hbm4b:s5+s3], $0x80, v4, vm0, $0xb8;
	[tilespmem:$0x18400] =	vst v63  }
0x86: {  	s25 =	simm.s32 $0xD400  }
0x87: {  	[tilespmem:s25], [sflag:$0x3] =	stream.indirect_vreg.gather [hbm4b:s6+s3], $0x80, v4, vm0, $0xb8;
	[tilespmem:$0x18400] =	vst v63  }
0x88: {  	s25 =	simm.s32 $0xDC00  }
0x89: {  	[tilespmem:s25], [sflag:$0x3] =	stream.indirect_vreg.gather [hbm4b:s1+s3], $0x80, v3, vm0, $0xb8;
	[tilespmem:$0x18400] =	vst v63  }
0x8a: {  	s25 =	simm.s32 $0xE400  }
0x8b: {  	[tilespmem:s25], [sflag:$0x3] =	stream.indirect_vreg.gather [hbm4b:s5+s3], $0x80, v3, vm0, $0xb8;
	[tilespmem:$0x18400] =	vst v63  }
0x8c: {  	s25 =	simm.s32 $0xEC00  }
0x8d: {  	[tilespmem:s25], [sflag:$0x3] =	stream.indirect_vreg.gather [hbm4b:s6+s3], $0x80, v3, vm0, $0xb8;
	[tilespmem:$0x18400] =	vst v63  }
0x8e: {  	v3 =	vld [tilespmem:s7+$0xFFFFFFF0];
	_ =	sdelay $0x4  }
0x8f: {  	v61 =	vshrl.u32 v3, $0x3  }
0x90: {  	v4 =	vmul.u32 $0x30, v61  }
0x91: {  	v3 =	vand.u32 $0x7, v3  }
0x92: {  	v3 =	vor.u32 v3, v4  }
0x93: {  	v4 =	vperm.xlane v3, v0;
	_ =	sdelay $0x1  }
0x94: {  	v4 =	vadd.s32 v1, v4;
	_ =	sdelay $0x3  }
0x95: {  	s25 =	simm.s32 $0xF400;
	v3 =	vperm.xlane v3, v2  }
0x96: {  	[tilespmem:s25], [sflag:$0x3] =	stream.indirect_vreg.gather [hbm4b:s1+s3], $0x80, v4, vm0, $0xb8;
	[tilespmem:$0x18400] =	vst v63  }
0x97: {  	v3 =	vadd.s32 v1, v3;
	s25 =	simm.s32 $0xFC00  }
0x98: {  	[tilespmem:s25], [sflag:$0x3] =	stream.indirect_vreg.gather [hbm4b:s5+s3], $0x80, v4, vm0, $0xb8;
	[tilespmem:$0x18400] =	vst v63  }
0x99: {  	s25 =	simm.s32 $0x10400  }
0x9a: {  	[tilespmem:s25], [sflag:$0x3] =	stream.indirect_vreg.gather [hbm4b:s6+s3], $0x80, v4, vm0, $0xb8;
	[tilespmem:$0x18400] =	vst v63  }
0x9b: {  	s25 =	simm.s32 $0x10C00  }
0x9c: {  	[tilespmem:s25], [sflag:$0x3] =	stream.indirect_vreg.gather [hbm4b:s1+s3], $0x80, v3, vm0, $0xb8;
	[tilespmem:$0x18400] =	vst v63  }
0x9d: {  	s25 =	simm.s32 $0x11400  }
0x9e: {  	[tilespmem:s25], [sflag:$0x3] =	stream.indirect_vreg.gather [hbm4b:s5+s3], $0x80, v3, vm0, $0xb8;
	[tilespmem:$0x18400] =	vst v63  }
0x9f: {  	s25 =	simm.s32 $0x11C00  }
0xa0: {  	[tilespmem:s25], [sflag:$0x3] =	stream.indirect_vreg.gather [hbm4b:s6+s3], $0x80, v3, vm0, $0xb8;
	[tilespmem:$0x18400] =	vst v63  }
0xa1: {  	_ =	swait.ge [sflag:s26], $0x6000  }
0xa2: {  	[sflag:s26] =	ssyncset.done $0x0  }
0xa3: {  	s12 =	sadd.s32 $0xC00, s12;
	[sflag:s26] =	ssyncadd.s32 $0xFFFFA000  }
0xa4: {  	[hbm4b:s12+s3] =	stream.linear.scatter [tilespmem:s24], [sflag:$0x6], $0x6000, $0x38;
	[tilespmem:$0x18400] =	vst v63  }
0xa5: {  	s12 =	simm.s32 @!p0 $0x8  }
0xa6: {  	_ =	swait.ge @!p0 [sflag:s12], $0x6000  }
0xa7: {  	[sflag:s12] =	ssyncset.done @!p0 $0x0  }
0xa8: {  	[sflag:s12] =	ssyncadd.s32 @!p0 $0xFFFFA000  }
0xa9: {  	v3 =	vld [tilespmem:s7+$0x0];
	_ =	sdelay $0x4  }
0xaa: {  	v62 =	vshrl.u32 v3, $0x3  }
0xab: {  	v4 =	vmul.u32 $0x30, v62  }
0xac: {  	v3 =	vand.u32 $0x7, v3  }
0xad: {  	v3 =	vor.u32 v3, v4  }
0xae: {  	v4 =	vperm.xlane v3, v0;
	_ =	sdelay $0x1  }
0xaf: {  	v4 =	vadd.s32 v1, v4;
	_ =	sdelay $0x3  }
0xb0: {  	v3 =	vperm.xlane v3, v2  }
0xb1: {  	[tilespmem:s28], [sflag:$0x4] =	stream.indirect_vreg.gather [hbm4b:s1+s3], $0x80, v4, vm0, $0xb8;
	[tilespmem:$0x18400] =	vst v63  }
0xb2: {  	v3 =	vadd.s32 v1, v3  }
0xb3: {  	[tilespmem:s29], [sflag:$0x4] =	stream.indirect_vreg.gather [hbm4b:s5+s3], $0x80, v4, vm0, $0xb8;
	[tilespmem:$0x18400] =	vst v63  }
0xb4: {  	_ = 	snop  }
0xb5: {  	[tilespmem:s30], [sflag:$0x4] =	stream.indirect_vreg.gather [hbm4b:s6+s3], $0x80, v4, vm0, $0xb8;
	[tilespmem:$0x18400] =	vst v63  }
0xb6: {  	_ = 	snop  }
0xb7: {  	[tilespmem:s31], [sflag:$0x4] =	stream.indirect_vreg.gather [hbm4b:s1+s3], $0x80, v3, vm0, $0xb8;
	[tilespmem:$0x18400] =	vst v63  }
0xb8: {  	_ = 	snop  }
0xb9: {  	[tilespmem:s0], [sflag:$0x4] =	stream.indirect_vreg.gather [hbm4b:s5+s3], $0x80, v3, vm0, $0xb8;
	[tilespmem:$0x18400] =	vst v63  }
0xba: {  	_ = 	snop  }
0xbb: {  	[tilespmem:s2], [sflag:$0x4] =	stream.indirect_vreg.gather [hbm4b:s6+s3], $0x80, v3, vm0, $0xb8;
	[tilespmem:$0x18400] =	vst v63  }
0xbc: {  	v3 =	vld [tilespmem:s7+$0x10];
	_ =	sdelay $0x4  }
0xbd: {  	v63 =	vshrl.u32 v3, $0x3  }
0xbe: {  	v4 =	vmul.u32 $0x30, v63  }
0xbf: {  	v3 =	vand.u32 $0x7, v3  }
0xc0: {  	v3 =	vor.u32 v3, v4  }
0xc1: {  	v4 =	vperm.xlane v3, v0;
	_ =	sdelay $0x1  }
0xc2: {  	v4 =	vadd.s32 v1, v4;
	_ =	sdelay $0x3  }
0xc3: {  	v3 =	vperm.xlane v3, v2  }
0xc4: {  	[tilespmem:s13], [sflag:$0x4] =	stream.indirect_vreg.gather [hbm4b:s1+s3], $0x80, v4, vm0, $0xb8;
	[tilespmem:$0x18400] =	vst v63  }
0xc5: {  	v3 =	vadd.s32 v1, v3  }
0xc6: {  	[tilespmem:s14], [sflag:$0x4] =	stream.indirect_vreg.gather [hbm4b:s5+s3], $0x80, v4, vm0, $0xb8;
	[tilespmem:$0x18400] =	vst v63  }
0xc7: {  	_ = 	snop  }
0xc8: {  	[tilespmem:s15], [sflag:$0x4] =	stream.indirect_vreg.gather [hbm4b:s6+s3], $0x80, v4, vm0, $0xb8;
	[tilespmem:$0x18400] =	vst v63  }
0xc9: {  	_ = 	snop  }
0xca: {  	[tilespmem:s18], [sflag:$0x4] =	stream.indirect_vreg.gather [hbm4b:s1+s3], $0x80, v3, vm0, $0xb8;
	[tilespmem:$0x18400] =	vst v63  }
0xcb: {  	_ = 	snop  }
0xcc: {  	[tilespmem:s19], [sflag:$0x4] =	stream.indirect_vreg.gather [hbm4b:s5+s3], $0x80, v3, vm0, $0xb8;
	[tilespmem:$0x18400] =	vst v63  }
0xcd: {  	_ = 	snop  }
0xce: {  	[tilespmem:s20], [sflag:$0x4] =	stream.indirect_vreg.gather [hbm4b:s6+s3], $0x80, v3, vm0, $0xb8;
	[tilespmem:$0x18400] =	vst v63  }
0xcf: {  	_ =	swait.ge [sflag:s21], $0x6000  }
0xd0: {  	[sflag:s21] =	ssyncset.done $0x0  }
0xd1: {  	s25 =	sadd.s32 s11, s8;
	[sflag:s21] =	ssyncadd.s32 $0xFFFFA000  }
0xd2: {  	[hbm4b:s25+s3] =	stream.linear.scatter [tilespmem:s17], [sflag:$0x7], $0x6000, $0x38;
	[tilespmem:$0x18400] =	vst v63  }
0xd3: {  	_ =	swait.ge [sflag:s22], $0x6000  }
0xd4: {  	[sflag:s22] =	ssyncset.done $0x0  }
0xd5: {  	p0 =	seq.s32 s11, $0x15000;
	[sflag:s22] =	ssyncadd.s32 $0xFFFFA000  }
0xd6: {  	v3 =	vld @!p0 [tilespmem:s7+$0x20];
	_ =	sdelay $0x4  }
0xd7: {  	v4 =	vshrl.u32 @!p0 v3, $0x3  }
0xd8: {  	v4 =	vmul.u32 @!p0 $0x30, v4  }
0xd9: {  	v5 =	vlaneseq.u32 @!p0;
	v3 =	vand.u32 @!p0 $0x7, v3  }
0xda: {  	v6 =	vshrl.u32 @!p0 v5, $0x3;
	v3 =	vor.u32 @!p0 v3, v4;
	v4 =	vand.u32 @!p0 $0x7, v5  }
0xdb: {  	v6 =	vmul.u32 @!p0 $0x8, v6;
	v7 =	vperm.xlane @!p0 v3, v4;
	_ =	sdelay $0x1  }
0xdc: {  	v7 =	vadd.s32 @!p0 v6, v7;
	_ =	sdelay $0x2  }
0xdd: {  	v5 =	vor.u32 @!p0 $0x8, v5  }
0xde: {  	vm1 =	vmmov @!p0 $0xffff;
	s12 =	simm.s32 @!p0 $0x0;
	s25 =	simm.s32 @!p0 $0x400;
	v3 =	vperm.xlane @!p0 v3, v5  }
0xdf: {  	[tilespmem:s25], [sflag:$0x1] =	stream.indirect_vreg.gather @!p0 [hbm4b:s1+s12], $0x80, v7, vm1, $0xb8;
	[tilespmem:$0x18400] =	vst v63  }
0xe0: {  	v3 =	vadd.s32 @!p0 v6, v3;
	s25 =	simm.s32 @!p0 $0xC00  }
0xe1: {  	[tilespmem:s25], [sflag:$0x1] =	stream.indirect_vreg.gather @!p0 [hbm4b:s5+s12], $0x80, v7, vm1, $0xb8;
	[tilespmem:$0x18400] =	vst v63  }
0xe2: {  	s25 =	simm.s32 @!p0 $0x1400  }
0xe3: {  	[tilespmem:s25], [sflag:$0x1] =	stream.indirect_vreg.gather @!p0 [hbm4b:s6+s12], $0x80, v7, vm1, $0xb8;
	[tilespmem:$0x18400] =	vst v63  }
0xe4: {  	s25 =	simm.s32 @!p0 $0x1C00  }
0xe5: {  	[tilespmem:s25], [sflag:$0x1] =	stream.indirect_vreg.gather @!p0 [hbm4b:s1+s12], $0x80, v3, vm1, $0xb8;
	[tilespmem:$0x18400] =	vst v63  }
0xe6: {  	s25 =	simm.s32 @!p0 $0x2400  }
0xe7: {  	[tilespmem:s25], [sflag:$0x1] =	stream.indirect_vreg.gather @!p0 [hbm4b:s5+s12], $0x80, v3, vm1, $0xb8;
	[tilespmem:$0x18400] =	vst v63  }
0xe8: {  	s25 =	simm.s32 @!p0 $0x2C00  }
0xe9: {  	[tilespmem:s25], [sflag:$0x1] =	stream.indirect_vreg.gather @!p0 [hbm4b:s6+s12], $0x80, v3, vm1, $0xb8;
	[tilespmem:$0x18400] =	vst v63  }
0xea: {  	v3 =	vld @!p0 [tilespmem:s7+$0x30];
	_ =	sdelay $0x4  }
0xeb: {  	v7 =	vshrl.u32 @!p0 v3, $0x3  }
0xec: {  	v7 =	vmul.u32 @!p0 $0x30, v7  }
0xed: {  	v3 =	vand.u32 @!p0 $0x7, v3  }
0xee: {  	v3 =	vor.u32 @!p0 v3, v7  }
0xef: {  	v4 =	vperm.xlane @!p0 v3, v4;
	_ =	sdelay $0x1  }
0xf0: {  	v4 =	vadd.s32 @!p0 v6, v4;
	_ =	sdelay $0x3  }
0xf1: {  	s25 =	simm.s32 @!p0 $0x3400;
	v3 =	vperm.xlane @!p0 v3, v5  }
0xf2: {  	[tilespmem:s25], [sflag:$0x1] =	stream.indirect_vreg.gather @!p0 [hbm4b:s1+s12], $0x80, v4, vm1, $0xb8;
	[tilespmem:$0x18400] =	vst v63  }
0xf3: {  	v3 =	vadd.s32 @!p0 v6, v3;
	s25 =	simm.s32 @!p0 $0x3C00  }
0xf4: {  	[tilespmem:s25], [sflag:$0x1] =	stream.indirect_vreg.gather @!p0 [hbm4b:s5+s12], $0x80, v4, vm1, $0xb8;
	[tilespmem:$0x18400] =	vst v63  }
0xf5: {  	s25 =	simm.s32 @!p0 $0x4400  }
0xf6: {  	[tilespmem:s25], [sflag:$0x1] =	stream.indirect_vreg.gather @!p0 [hbm4b:s6+s12], $0x80, v4, vm1, $0xb8;
	[tilespmem:$0x18400] =	vst v63  }
0xf7: {  	s25 =	simm.s32 @!p0 $0x4C00  }
0xf8: {  	[tilespmem:s25], [sflag:$0x1] =	stream.indirect_vreg.gather @!p0 [hbm4b:s1+s12], $0x80, v3, vm1, $0xb8;
	[tilespmem:$0x18400] =	vst v63  }
0xf9: {  	s25 =	simm.s32 @!p0 $0x5400  }
0xfa: {  	[tilespmem:s25], [sflag:$0x1] =	stream.indirect_vreg.gather @!p0 [hbm4b:s5+s12], $0x80, v3, vm1, $0xb8;
	[tilespmem:$0x18400] =	vst v63  }
0xfb: {  	s25 =	simm.s32 @!p0 $0x5C00  }
0xfc: {  	[tilespmem:s25], [sflag:$0x1] =	stream.indirect_vreg.gather @!p0 [hbm4b:s6+s12], $0x80, v3, vm1, $0xb8;
	[tilespmem:$0x18400] =	vst v63  }
0xfd: {  	_ =	swait.ge [sflag:s23], $0x6000  }
0xfe: {  	[sflag:s23] =	ssyncset.done $0x0  }
.Ltmp2:
0xff: {  	s25 =	sadd.s32 s11, s9;
	[sflag:s23] =	ssyncadd.s32 $0xFFFFA000;
	(pc) =	sbr.rel @p0 .LBB2_4-.Ltmp2, $4  }
0x100: {  	[hbm4b:s25+s3] =	stream.linear.scatter [tilespmem:s28], [sflag:$0x8], $0x6000, $0x38;
	[tilespmem:$0x18400] =	vst v63  }
0x101: {  	_ =	swait.ge [sflag:s4], $0x6000  }
0x102: {  	[sflag:s4] =	ssyncset.done $0x0  }
0x103: {  	[sflag:s4] =	ssyncadd.s32 $0xFFFFA000  }
0x104: {  	v3 =	vld [tilespmem:s7+$0x40];
	_ =	sdelay $0x4  }
0x105: {  	v4 =	vshrl.u32 v3, $0x3  }
0x106: {  	v4 =	vmul.u32 $0x30, v4  }
0x107: {  	v3 =	vand.u32 $0x7, v3  }
0x108: {  	v3 =	vor.u32 v3, v4  }
0x109: {  	v4 =	vperm.xlane v3, v0;
	_ =	sdelay $0x1  }
0x10a: {  	v4 =	vadd.s32 v1, v4;
	_ =	sdelay $0x3  }
0x10b: {  	v3 =	vperm.xlane v3, v2  }
0x10c: {  	[tilespmem:s24], [sflag:$0x2] =	stream.indirect_vreg.gather [hbm4b:s1+s3], $0x80, v4, vm0, $0xb8;
	[tilespmem:$0x18400] =	vst v63  }
0x10d: {  	s12 =	simm.s32 $0x6C00;
	v3 =	vadd.s32 v1, v3  }
0x10e: {  	[tilespmem:s12], [sflag:$0x2] =	stream.indirect_vreg.gather [hbm4b:s5+s3], $0x80, v4, vm0, $0xb8;
	[tilespmem:$0x18400] =	vst v63  }
0x10f: {  	s25 =	simm.s32 $0x7400  }
0x110: {  	[tilespmem:s25], [sflag:$0x2] =	stream.indirect_vreg.gather [hbm4b:s6+s3], $0x80, v4, vm0, $0xb8;
	[tilespmem:$0x18400] =	vst v63  }
0x111: {  	s25 =	simm.s32 $0x7C00  }
0x112: {  	[tilespmem:s25], [sflag:$0x2] =	stream.indirect_vreg.gather [hbm4b:s1+s3], $0x80, v3, vm0, $0xb8;
	[tilespmem:$0x18400] =	vst v63  }
0x113: {  	s25 =	simm.s32 $0x8400  }
0x114: {  	[tilespmem:s25], [sflag:$0x2] =	stream.indirect_vreg.gather [hbm4b:s5+s3], $0x80, v3, vm0, $0xb8;
	[tilespmem:$0x18400] =	vst v63  }
0x115: {  	s25 =	simm.s32 $0x8C00  }
0x116: {  	[tilespmem:s25], [sflag:$0x2] =	stream.indirect_vreg.gather [hbm4b:s6+s3], $0x80, v3, vm0, $0xb8;
	[tilespmem:$0x18400] =	vst v63  }
0x117: {  	v3 =	vld [tilespmem:s7+$0x50];
	_ =	sdelay $0x4  }
0x118: {  	v63 =	vshrl.u32 v3, $0x3  }
0x119: {  	v4 =	vmul.u32 $0x30, v63  }
0x11a: {  	v3 =	vand.u32 $0x7, v3  }
0x11b: {  	v3 =	vor.u32 v3, v4  }
0x11c: {  	v4 =	vperm.xlane v3, v0;
	_ =	sdelay $0x1  }
0x11d: {  	v4 =	vadd.s32 v1, v4;
	_ =	sdelay $0x3  }
0x11e: {  	s25 =	simm.s32 $0x9400;
	v3 =	vperm.xlane v3, v2  }
0x11f: {  	[tilespmem:s25], [sflag:$0x2] =	stream.indirect_vreg.gather [hbm4b:s1+s3], $0x80, v4, vm0, $0xb8;
	[tilespmem:$0x18400] =	vst v63  }
0x120: {  	v3 =	vadd.s32 v1, v3;
	s25 =	simm.s32 $0x9C00  }
0x121: {  	[tilespmem:s25], [sflag:$0x2] =	stream.indirect_vreg.gather [hbm4b:s5+s3], $0x80, v4, vm0, $0xb8;
	[tilespmem:$0x18400] =	vst v63  }
0x122: {  	s25 =	simm.s32 $0xA400  }
0x123: {  	[tilespmem:s25], [sflag:$0x2] =	stream.indirect_vreg.gather [hbm4b:s6+s3], $0x80, v4, vm0, $0xb8;
	[tilespmem:$0x18400] =	vst v63  }
0x124: {  	s25 =	simm.s32 $0xAC00  }
0x125: {  	[tilespmem:s25], [sflag:$0x2] =	stream.indirect_vreg.gather [hbm4b:s1+s3], $0x80, v3, vm0, $0xb8;
	[tilespmem:$0x18400] =	vst v63  }
.Ltmp3:
0x126: {  	_ = 	snop;
	(pc) =	sbr.rel .LBB2_2-.Ltmp3, $4  }
0x127: {  	s25 =	simm.s32 $0xB400  }
0x128: {  	[tilespmem:s25], [sflag:$0x2] =	stream.indirect_vreg.gather [hbm4b:s5+s3], $0x80, v3, vm0, $0xb8;
	[tilespmem:$0x18400] =	vst v63  }
0x129: {  	s11 =	sadd.s32 $0x3000, s11;
	s7 =	sadd.s32 $0x80, s7;
	s25 =	simm.s32 $0xBC00  }
0x12a: {  	[tilespmem:s25], [sflag:$0x2] =	stream.indirect_vreg.gather [hbm4b:s6+s3], $0x80, v3, vm0, $0xb8;
	[tilespmem:$0x18400] =	vst v63  }
.LBB2_5:
0x12b: {  	_ =	sfence.sel $0x180000  }
0x12c: {  	[bflag:$0x0] =	sbarrier.arrive $0xFFFF  }
0x12d: {  	_ =	strace $0x90000047  }
0x12e: {  	s0 =	stileid.u32;
	[bflag:$0x2] =	sbarrier.arrive $0xFFFF  }
0x12f: {  	p0 =	sne.s32 s0, $0x0;
	s0 =	rddreg [dreg:$0x3]  }
0x130: {  	s0 =	sadd.s32 @!p0 $0x100000, s0  }
0x131: {  	[sflag:s0] =	ssyncadd.tile.s32 @!p0 $0x1;
	_ =	shalt  }
.Lfunc_end2:
_tile_overlayer_lowered:
.L_overlay_start_2:
0x132: {  	(tag) =	ssettag $0x2  }
0x133: {  	s0 =	rddreg [dreg:$0x0];
	s2 =	stileid.u32  }
0x134: {  	s1 =	rddreg [dreg:$0x1];
	p0 =	sne.s32 s2, $0x0  }
0x135: {  	s3 =	rddreg [dreg:$0x2];
	[bflag:$0x3] =	sbarrier.arrive $0xFFFF;
	s2 =	simm.s32 @!p0 $0x1C09  }
0x136: {  	[timem:s3], [sflag:s2] =	dma.local @!p0 [hbm:s0], s1  }
0x137: {  	s0 =	simm.s32 @!p0 $0x9  }
0x138: {  	_ =	swait.ge @!p0 [sflag:s0], s1  }
0x139: {  	s1 =	ssub.s32 @!p0 $0x0, s1;
	[sflag:s0] =	ssyncset.done @!p0 $0x0  }
0x13a: {  	[sflag:s0] =	ssyncadd.s32 @!p0 s1  }
0x13b: {  	[bflag:$0x3] =	sbarrier.arrive $0xFFFF  }
0x13c: {  	_ =	shalt  }

</sc_bundles>
